<compile_context>
chip_gen: v7x
topology: tpu7x:2x2x1
jax: 0.10.2.dev20260603
libtpu: 0.0.44.dev20260713+nightly
codegen_flags: <defaults>
</compile_context>

<pallas_src>
import jax
import jax.numpy as jnp
from jax import lax
from jax.experimental import pallas as pl
from jax.experimental.pallas import tpu as pltpu
from jax.experimental.pallas import tpu_sc as plsc

B = 16384
D = 32
OUT_D = 3 * D + 1
V_ID = 1000000

NC = 2
NS = 16
NW = NC * NS
BPW = B // NW
CHUNK = 128
NCH = BPW // CHUNK
L = 16

BLKL = 128
NBLK = 7813
CPW = NBLK // NW
XTRA = NBLK % NW
RING = 8


def _conv_body(tab_t, id_f, slab, sem_in, sem_out):
    c = lax.axis_index("c")
    s = lax.axis_index("s")
    wid = s * NC + c
    start = wid * CPW + jnp.minimum(wid, XTRA)
    cnt = CPW + (wid < XTRA).astype(jnp.int32)

    PD = RING - 2
    for p in range(PD):
        @pl.when(p < cnt)
        def _():
            pltpu.async_copy(
                tab_t.at[:, pl.ds((start + p) * BLKL, BLKL)], slab.at[p],
                sem_in.at[p])

    def step(i, carry):
        b = lax.rem(i, RING)
        nb = lax.rem(i + PD, RING)
        blk = start + i
        pltpu.make_async_copy(
            tab_t.at[:, pl.ds(0, BLKL)], slab.at[b], sem_in.at[b]).wait()

        @pl.when(i + PD < cnt)
        def _():
            @pl.when(i >= 2)
            def _():
                pltpu.make_async_copy(
                    slab.at[0], id_f.at[0], sem_out.at[nb]).wait()
            pltpu.async_copy(
                tab_t.at[:, pl.ds((blk + PD) * BLKL, BLKL)],
                slab.at[nb], sem_in.at[nb])

        pltpu.async_copy(slab.at[b], id_f.at[blk], sem_out.at[b])
        return carry

    lax.fori_loop(0, cnt, step, None)

    def final_drain(b, carry):
        @pl.when(jnp.minimum(cnt, RING) > b)
        def _():
            pltpu.make_async_copy(
                slab.at[0], id_f.at[0], sem_out.at[b]).wait()
        return carry

    lax.fori_loop(0, RING, final_drain, None)


@jax.jit
def _conv(tab_t):
    mesh = plsc.VectorSubcoreMesh(core_axis_name="c", subcore_axis_name="s")
    return pl.kernel(
        _conv_body,
        out_type=jax.ShapeDtypeStruct((NBLK, D, BLKL), jnp.float32),
        mesh=mesh,
        compiler_params=pltpu.CompilerParams(
            use_tc_tiling_on_sc=True, needs_layout_passes=False),
        scratch_types=[
            pltpu.VMEM((RING, D, BLKL), jnp.float32),
            pltpu.SemaphoreType.DMA((RING,)),
            pltpu.SemaphoreType.DMA((RING,)),
        ],
    )(tab_t)


def _gather_body(cid_h, memi_h, zipi_h, age_h, scale_h,
                 id_flat, mem_tab, zip_tab, out_t,
                 cid_v, memi_v, zipi_v, age_v, scale_v, memtab_v,
                 idxbuf, rows_zip, outbuf, sem_id, sem_row):
    c = lax.axis_index("c")
    s = lax.axis_index("s")
    wid = s * NC + c
    cbase = wid * NCH
    base = wid * BPW

    pltpu.sync_copy(cid_h.at[pl.ds(cbase, NCH)], cid_v)
    stage = [
        pltpu.async_copy(memi_h.at[pl.ds(cbase, NCH)], memi_v, sem_row),
        pltpu.async_copy(zipi_h.at[pl.ds(cbase, NCH)], zipi_v, sem_row),
        pltpu.async_copy(age_h.at[pl.ds(cbase, NCH)], age_v, sem_row),
        pltpu.async_copy(scale_h, scale_v, sem_row),
        pltpu.async_copy(mem_tab, memtab_v, sem_row),
    ]

    for j in range(NCH):
        for k in range(CHUNK // L):
            v = cid_v[j, pl.ds(k * L, L)]
            eb = ((v >> 7) << 12) + (v & 127)
            idxbuf[j, 0, pl.ds(k * L, L)] = eb
        pltpu.async_copy(
            id_flat.at[idxbuf.at[j, 0]],
            outbuf.at[0, pl.ds(j * CHUNK, CHUNK)], sem_id)

        def fire_d(d, carry):
            def addr(kk, carry2):
                e = idxbuf[j, 0, pl.ds(kk * L, L)]
                idxbuf[j, d, pl.ds(kk * L, L)] = e + d * BLKL
                return carry2
            lax.fori_loop(0, CHUNK // L, addr, None, unroll=4)
            pltpu.async_copy(
                id_flat.at[idxbuf.at[j, d]],
                outbuf.at[d, pl.ds(j * CHUNK, CHUNK)], sem_id)
            return carry

        lax.fori_loop(1, D, fire_d, None)

    for cp in stage:
        cp.wait()

    row_copies = []
    for j in range(NCH):
        row_copies.append(pltpu.async_copy(
            zip_tab.at[zipi_v.at[j]], rows_zip.at[pl.ds(j * CHUNK, CHUNK)],
            sem_row))

    mean = scale_v[pl.ds(0, L)]
    inv = scale_v[pl.ds(L, L)]
    for j in range(NCH):
        for k in range(CHUNK // L):
            a = age_v[j, pl.ds(k * L, L)]
            outbuf[3 * D, pl.ds(j * CHUNK + k * L, L)] = (a - mean) * inv

    for j in range(NCH):
        for k in range(CHUNK // L):
            m16 = memi_v[j, pl.ds(k * L, L)]
            col = j * CHUNK + k * L
            for d in range(D):
                vals = plsc.load_gather(
                    memtab_v, [m16, jnp.full((L,), d, jnp.int32)])
                outbuf[D + d, pl.ds(col, L)] = vals

    for cp in row_copies:
        cp.wait()

    lane = lax.iota(jnp.int32, L)

    def trans(r0, carry):
        ridx = lane + r0 * L
        for d in range(D):
            zvals = plsc.load_gather(
                rows_zip, [ridx, jnp.full((L,), d, jnp.int32)])
            outbuf[2 * D + d, pl.ds(r0 * L, L)] = zvals
        return carry

    lax.fori_loop(0, BPW // L, trans, None)

    def drain(t, carry):
        pltpu.make_async_copy(
            id_flat.at[pl.ds(0, CHUNK)],
            outbuf.at[0, pl.ds(0, CHUNK)], sem_id).wait()
        return carry

    lax.fori_loop(0, NCH * D, drain, None, unroll=4)

    pltpu.sync_copy(outbuf, out_t.at[:, pl.ds(base, BPW)])


@jax.jit
def _impl(cid2, memi2, zipi2, age2, scale, id_flat, membership_table,
          zip_table):
    mesh = plsc.VectorSubcoreMesh(core_axis_name="c", subcore_axis_name="s")
    return pl.kernel(
        _gather_body,
        out_type=jax.ShapeDtypeStruct((OUT_D, B), jnp.float32),
        mesh=mesh,
        compiler_params=pltpu.CompilerParams(
            use_tc_tiling_on_sc=False, needs_layout_passes=False),
        scratch_types=[
            pltpu.VMEM((NCH, CHUNK), jnp.int32),
            pltpu.VMEM((NCH, CHUNK), jnp.int32),
            pltpu.VMEM((NCH, CHUNK), jnp.int32),
            pltpu.VMEM((NCH, CHUNK), jnp.float32),
            pltpu.VMEM((2 * L,), jnp.float32),
            pltpu.VMEM((8, D), jnp.float32),
            pltpu.VMEM((NCH, D, CHUNK), jnp.int32),
            pltpu.VMEM((BPW, D), jnp.float32),
            pltpu.VMEM((OUT_D, BPW), jnp.float32),
            pltpu.SemaphoreType.DMA,
            pltpu.SemaphoreType.DMA,
        ],
    )(cid2, memi2, zipi2, age2, scale, id_flat, membership_table, zip_table)


def kernel(customer_id, club_member_status, postal_code, age,
           id_table, membership_table, zip_table, age_mean, age_var):
    inv_std = lax.rsqrt(age_var.astype(jnp.float32))
    scale = jnp.concatenate([
        jnp.full((L,), age_mean, jnp.float32),
        jnp.full((L,), inv_std, jnp.float32),
    ])
    cid2 = customer_id.reshape(NW * NCH, CHUNK)
    memi2 = club_member_status.reshape(NW * NCH, CHUNK)
    zipi2 = postal_code.reshape(NW * NCH, CHUNK)
    age2 = age.reshape(NW * NCH, CHUNK)
    id_flat = _conv(id_table.T).reshape(-1)
    out_t = _impl(cid2, memi2, zipi2, age2, scale, id_flat,
                  membership_table, zip_table)
    return out_t.T

# --- scband reference (transcript-rebuilt; emitter-appended) ---
"""Pipeline reference for scband-user-embedding-31834297598322 (READ-ONLY COPY).

The authoritative reference and input builder live on the scoring server;
editing this copy changes nothing except your own understanding.
"""

import jax, jax.numpy as jnp
import numpy as np

B = 16384
EMBED_DIM = 32
ID_VOCAB = 1000000
ZIP_VOCAB = 100000
MEM_VOCAB = 8


def setup_inputs(seed: int = 0) -> dict:
    key = jax.random.key(seed)
    ks = jax.random.split(key, 8)
    customer_id = jax.random.randint(ks[0], (B,), 0, ID_VOCAB, dtype=jnp.int64 if jax.config.jax_enable_x64 else jnp.int32).astype(jnp.int32)
    club_member_status = jax.random.randint(ks[1], (B,), 0, MEM_VOCAB).astype(jnp.int32)
    postal_code = jax.random.randint(ks[2], (B,), 0, ZIP_VOCAB).astype(jnp.int32)
    age = jax.random.uniform(ks[3], (B,), dtype=jnp.float32, minval=18.0, maxval=80.0)
    id_table = jax.random.normal(ks[4], (ID_VOCAB, EMBED_DIM), dtype=jnp.float32) * 0.02
    membership_table = jax.random.normal(ks[5], (MEM_VOCAB, EMBED_DIM), dtype=jnp.float32) * 0.02
    zip_table = jax.random.normal(ks[6], (ZIP_VOCAB, EMBED_DIM), dtype=jnp.float32) * 0.02
    age_mean = jnp.array(45.0, dtype=jnp.float32)
    age_var = jnp.array(300.0, dtype=jnp.float32)
    return {
        "customer_id": customer_id,
        "club_member_status": club_member_status,
        "postal_code": postal_code,
        "age": age,
        "id_table": id_table,
        "membership_table": membership_table,
        "zip_table": zip_table,
        "age_mean": age_mean,
        "age_var": age_var,
    }


def reference(customer_id, club_member_status, postal_code, age, id_table, membership_table, zip_table, age_mean, age_var):
    # StringLookup is modeled as pre-resolved integer ids; Embedding -> gather.
    id_emb = jnp.take(id_table, customer_id, axis=0)          # [B, D]
    mem_emb = jnp.take(membership_table, club_member_status, axis=0)  # [B, D]
    zip_emb = jnp.take(zip_table, postal_code, axis=0)        # [B, D]
    # Keras Normalization(axis=None): (x - mean) / sqrt(var)
    age_norm = (age - age_mean) / jnp.sqrt(age_var)           # [B]
    out = jnp.concatenate([id_emb, mem_emb, zip_emb, age_norm[:, None]], axis=-1)  # [B, 3D+1]
    return out

if __name__ == "__main__":
    import jax
    _d = setup_inputs()
    print(jax.jit(kernel)(*tuple(_d.values())))

</pallas_src>

<mosaic_0001>
#map = affine_map<(d0, d1) -> (0, 0)>
#map1 = affine_map<(d0, d1) -> (0, 0, 0)>
module attributes {stable_mosaic.version = 14 : i64} {
  func.func @_conv_body(%arg0: i32, %arg1: i32, %arg2: memref<32x1000000xf32, #tpu.memory_space<hbm>>, %arg3: memref<7813x32x128xf32, #tpu.memory_space<hbm>>, %arg4: memref<8x32x128xf32, #tpu.memory_space<vmem>>, %arg5: memref<8x!tpu.dma_semaphore, #tpu.memory_space<semaphore_mem>>, %arg6: memref<8x!tpu.dma_semaphore, #tpu.memory_space<semaphore_mem>>) attributes {dimension_semantics = [#tpu.dimension_semantics<core_parallel>, #tpu.dimension_semantics<subcore_parallel>], iteration_bounds = array<i64: 2, 16>, scalar_prefetch = 0 : i64, scratch_operands = 3 : i64, tpu.core_type = #tpu.core_type<sc_vector_subcore>, window_params = [{transform_indices = #map}, {transform_indices = #map1}]} {
    %mul3A = arith.constant 2 : i32
    %mul3A_0 = arith.muli %arg1, %mul3A : i32
    %add3A = arith.addi %mul3A_0, %arg0 : i32
    %mul3A_1 = arith.constant 244 : i32
    %mul3A_2 = arith.muli %add3A, %mul3A_1 : i32
    %min3A = arith.constant 5 : i32
    %min3A_3 = arith.minsi %add3A, %min3A : i32
    %add3A_4 = arith.addi %mul3A_2, %min3A_3 : i32
    %lt3A = arith.constant 5 : i32
    %lt3A_5 = arith.cmpi slt, %add3A, %lt3A : i32
    %convert_element_type3A = arith.extui %lt3A_5 : i1 to i32
    %add3A_6 = arith.constant 244 : i32
    %add3A_7 = arith.addi %add3A_6, %convert_element_type3A : i32
    %gt3A = arith.constant 0 : i32
    %gt3A_8 = arith.cmpi sgt, %add3A_7, %gt3A : i32
    %convert_element_type3A_9 = arith.extui %gt3A_8 : i1 to i32
    %cond3A = arith.constant 0 : i32
    %cond3A_10 = arith.cmpi ne, %convert_element_type3A_9, %cond3A : i32
    scf.if %cond3A_10 {
      %add3A_48 = arith.constant 0 : i32
      %add3A_49 = arith.addi %add3A_4, %add3A_48 : i32
      %mul3A_50 = arith.constant 128 : i32
      %mul3A_51 = arith.muli %add3A_49, %mul3A_50 : i32
      %dma_start3A = arith.constant 0 : i32
      %dma_start3A_52 = arith.constant 0 : i32
      %dma_start3A_53 = arith.constant 0 : i32
      %dma_start3A_54 = arith.constant 0 : i32
      %dma_start3A_55 = tpu.memref_slice %arg4[%dma_start3A, %dma_start3A_53, %dma_start3A_54] : memref<8x32x128xf32, #tpu.memory_space<vmem>> -> memref<1x32x128xf32, #tpu.memory_space<vmem>>
      %dma_start3A_56 = tpu.memref_squeeze %dma_start3A_55 : memref<1x32x128xf32, #tpu.memory_space<vmem>> -> memref<32x128xf32, #tpu.memory_space<vmem>>
      %dma_start3A_57 = arith.constant 0 : i32
      %dma_start3A_58 = tpu.memref_slice %arg2[%dma_start3A_57, %mul3A_51] : memref<32x1000000xf32, #tpu.memory_space<hbm>> -> memref<32x128xf32, #tpu.memory_space<hbm>>
      %dma_start3A_59 = tpu.memref_slice %arg5[%dma_start3A_52] : memref<8x!tpu.dma_semaphore, #tpu.memory_space<semaphore_mem>> -> memref<1x!tpu.dma_semaphore, #tpu.memory_space<semaphore_mem>>
      %dma_start3A_60 = tpu.memref_squeeze %dma_start3A_59 : memref<1x!tpu.dma_semaphore, #tpu.memory_space<semaphore_mem>> -> memref<!tpu.dma_semaphore, #tpu.memory_space<semaphore_mem>>
      %dma_start3A_61 = arith.constant 0 : i32
      %dma_start3A_62 = arith.constant 0 : i32
      %dma_start3A_63 = tpu.memref_slice %arg4[%dma_start3A, %dma_start3A_61, %dma_start3A_62] : memref<8x32x128xf32, #tpu.memory_space<vmem>> -> memref<1x32x128xf32, #tpu.memory_space<vmem>>
      %dma_start3A_64 = tpu.memref_squeeze %dma_start3A_63 : memref<1x32x128xf32, #tpu.memory_space<vmem>> -> memref<32x128xf32, #tpu.memory_space<vmem>>
      %dma_start3A_65 = arith.constant 0 : i32
      %dma_start3A_66 = tpu.memref_slice %arg2[%dma_start3A_65, %mul3A_51] : memref<32x1000000xf32, #tpu.memory_space<hbm>> -> memref<32x128xf32, #tpu.memory_space<hbm>>
      tpu.enqueue_dma source(%dma_start3A_66 : memref<32x128xf32, #tpu.memory_space<hbm>>) target(%dma_start3A_64 : memref<32x128xf32, #tpu.memory_space<vmem>>) target_semaphore(%dma_start3A_60 : memref<!tpu.dma_semaphore, #tpu.memory_space<semaphore_mem>>)
    } else {
    }
    %gt3A_11 = arith.constant 1 : i32
    %gt3A_12 = arith.cmpi sgt, %add3A_7, %gt3A_11 : i32
    %convert_element_type3A_13 = arith.extui %gt3A_12 : i1 to i32
    %cond3A_14 = arith.constant 0 : i32
    %cond3A_15 = arith.cmpi ne, %convert_element_type3A_13, %cond3A_14 : i32
    scf.if %cond3A_15 {
      %add3A_48 = arith.constant 1 : i32
      %add3A_49 = arith.addi %add3A_4, %add3A_48 : i32
      %mul3A_50 = arith.constant 128 : i32
      %mul3A_51 = arith.muli %add3A_49, %mul3A_50 : i32
      %dma_start3A = arith.constant 1 : i32
      %dma_start3A_52 = arith.constant 1 : i32
      %dma_start3A_53 = arith.constant 0 : i32
      %dma_start3A_54 = arith.constant 0 : i32
      %dma_start3A_55 = tpu.memref_slice %arg4[%dma_start3A, %dma_start3A_53, %dma_start3A_54] : memref<8x32x128xf32, #tpu.memory_space<vmem>> -> memref<1x32x128xf32, #tpu.memory_space<vmem>>
      %dma_start3A_56 = tpu.memref_squeeze %dma_start3A_55 : memref<1x32x128xf32, #tpu.memory_space<vmem>> -> memref<32x128xf32, #tpu.memory_space<vmem>>
      %dma_start3A_57 = arith.constant 0 : i32
      %dma_start3A_58 = tpu.memref_slice %arg2[%dma_start3A_57, %mul3A_51] : memref<32x1000000xf32, #tpu.memory_space<hbm>> -> memref<32x128xf32, #tpu.memory_space<hbm>>
      %dma_start3A_59 = tpu.memref_slice %arg5[%dma_start3A_52] : memref<8x!tpu.dma_semaphore, #tpu.memory_space<semaphore_mem>> -> memref<1x!tpu.dma_semaphore, #tpu.memory_space<semaphore_mem>>
      %dma_start3A_60 = tpu.memref_squeeze %dma_start3A_59 : memref<1x!tpu.dma_semaphore, #tpu.memory_space<semaphore_mem>> -> memref<!tpu.dma_semaphore, #tpu.memory_space<semaphore_mem>>
      %dma_start3A_61 = arith.constant 0 : i32
      %dma_start3A_62 = arith.constant 0 : i32
      %dma_start3A_63 = tpu.memref_slice %arg4[%dma_start3A, %dma_start3A_61, %dma_start3A_62] : memref<8x32x128xf32, #tpu.memory_space<vmem>> -> memref<1x32x128xf32, #tpu.memory_space<vmem>>
      %dma_start3A_64 = tpu.memref_squeeze %dma_start3A_63 : memref<1x32x128xf32, #tpu.memory_space<vmem>> -> memref<32x128xf32, #tpu.memory_space<vmem>>
      %dma_start3A_65 = arith.constant 0 : i32
      %dma_start3A_66 = tpu.memref_slice %arg2[%dma_start3A_65, %mul3A_51] : memref<32x1000000xf32, #tpu.memory_space<hbm>> -> memref<32x128xf32, #tpu.memory_space<hbm>>
      tpu.enqueue_dma source(%dma_start3A_66 : memref<32x128xf32, #tpu.memory_space<hbm>>) target(%dma_start3A_64 : memref<32x128xf32, #tpu.memory_space<vmem>>) target_semaphore(%dma_start3A_60 : memref<!tpu.dma_semaphore, #tpu.memory_space<semaphore_mem>>)
    } else {
    }
    %gt3A_16 = arith.constant 2 : i32
    %gt3A_17 = arith.cmpi sgt, %add3A_7, %gt3A_16 : i32
    %convert_element_type3A_18 = arith.extui %gt3A_17 : i1 to i32
    %cond3A_19 = arith.constant 0 : i32
    %cond3A_20 = arith.cmpi ne, %convert_element_type3A_18, %cond3A_19 : i32
    scf.if %cond3A_20 {
      %add3A_48 = arith.constant 2 : i32
      %add3A_49 = arith.addi %add3A_4, %add3A_48 : i32
      %mul3A_50 = arith.constant 128 : i32
      %mul3A_51 = arith.muli %add3A_49, %mul3A_50 : i32
      %dma_start3A = arith.constant 2 : i32
      %dma_start3A_52 = arith.constant 2 : i32
      %dma_start3A_53 = arith.constant 0 : i32
      %dma_start3A_54 = arith.constant 0 : i32
      %dma_start3A_55 = tpu.memref_slice %arg4[%dma_start3A, %dma_start3A_53, %dma_start3A_54] : memref<8x32x128xf32, #tpu.memory_space<vmem>> -> memref<1x32x128xf32, #tpu.memory_space<vmem>>
      %dma_start3A_56 = tpu.memref_squeeze %dma_start3A_55 : memref<1x32x128xf32, #tpu.memory_space<vmem>> -> memref<32x128xf32, #tpu.memory_space<vmem>>
      %dma_start3A_57 = arith.constant 0 : i32
      %dma_start3A_58 = tpu.memref_slice %arg2[%dma_start3A_57, %mul3A_51] : memref<32x1000000xf32, #tpu.memory_space<hbm>> -> memref<32x128xf32, #tpu.memory_space<hbm>>
      %dma_start3A_59 = tpu.memref_slice %arg5[%dma_start3A_52] : memref<8x!tpu.dma_semaphore, #tpu.memory_space<semaphore_mem>> -> memref<1x!tpu.dma_semaphore, #tpu.memory_space<semaphore_mem>>
      %dma_start3A_60 = tpu.memref_squeeze %dma_start3A_59 : memref<1x!tpu.dma_semaphore, #tpu.memory_space<semaphore_mem>> -> memref<!tpu.dma_semaphore, #tpu.memory_space<semaphore_mem>>
      %dma_start3A_61 = arith.constant 0 : i32
      %dma_start3A_62 = arith.constant 0 : i32
      %dma_start3A_63 = tpu.memref_slice %arg4[%dma_start3A, %dma_start3A_61, %dma_start3A_62] : memref<8x32x128xf32, #tpu.memory_space<vmem>> -> memref<1x32x128xf32, #tpu.memory_space<vmem>>
      %dma_start3A_64 = tpu.memref_squeeze %dma_start3A_63 : memref<1x32x128xf32, #tpu.memory_space<vmem>> -> memref<32x128xf32, #tpu.memory_space<vmem>>
      %dma_start3A_65 = arith.constant 0 : i32
      %dma_start3A_66 = tpu.memref_slice %arg2[%dma_start3A_65, %mul3A_51] : memref<32x1000000xf32, #tpu.memory_space<hbm>> -> memref<32x128xf32, #tpu.memory_space<hbm>>
      tpu.enqueue_dma source(%dma_start3A_66 : memref<32x128xf32, #tpu.memory_space<hbm>>) target(%dma_start3A_64 : memref<32x128xf32, #tpu.memory_space<vmem>>) target_semaphore(%dma_start3A_60 : memref<!tpu.dma_semaphore, #tpu.memory_space<semaphore_mem>>)
    } else {
    }
    %gt3A_21 = arith.constant 3 : i32
    %gt3A_22 = arith.cmpi sgt, %add3A_7, %gt3A_21 : i32
    %convert_element_type3A_23 = arith.extui %gt3A_22 : i1 to i32
    %cond3A_24 = arith.constant 0 : i32
    %cond3A_25 = arith.cmpi ne, %convert_element_type3A_23, %cond3A_24 : i32
    scf.if %cond3A_25 {
      %add3A_48 = arith.constant 3 : i32
      %add3A_49 = arith.addi %add3A_4, %add3A_48 : i32
      %mul3A_50 = arith.constant 128 : i32
      %mul3A_51 = arith.muli %add3A_49, %mul3A_50 : i32
      %dma_start3A = arith.constant 3 : i32
      %dma_start3A_52 = arith.constant 3 : i32
      %dma_start3A_53 = arith.constant 0 : i32
      %dma_start3A_54 = arith.constant 0 : i32
      %dma_start3A_55 = tpu.memref_slice %arg4[%dma_start3A, %dma_start3A_53, %dma_start3A_54] : memref<8x32x128xf32, #tpu.memory_space<vmem>> -> memref<1x32x128xf32, #tpu.memory_space<vmem>>
      %dma_start3A_56 = tpu.memref_squeeze %dma_start3A_55 : memref<1x32x128xf32, #tpu.memory_space<vmem>> -> memref<32x128xf32, #tpu.memory_space<vmem>>
      %dma_start3A_57 = arith.constant 0 : i32
      %dma_start3A_58 = tpu.memref_slice %arg2[%dma_start3A_57, %mul3A_51] : memref<32x1000000xf32, #tpu.memory_space<hbm>> -> memref<32x128xf32, #tpu.memory_space<hbm>>
      %dma_start3A_59 = tpu.memref_slice %arg5[%dma_start3A_52] : memref<8x!tpu.dma_semaphore, #tpu.memory_space<semaphore_mem>> -> memref<1x!tpu.dma_semaphore, #tpu.memory_space<semaphore_mem>>
      %dma_start3A_60 = tpu.memref_squeeze %dma_start3A_59 : memref<1x!tpu.dma_semaphore, #tpu.memory_space<semaphore_mem>> -> memref<!tpu.dma_semaphore, #tpu.memory_space<semaphore_mem>>
      %dma_start3A_61 = arith.constant 0 : i32
      %dma_start3A_62 = arith.constant 0 : i32
      %dma_start3A_63 = tpu.memref_slice %arg4[%dma_start3A, %dma_start3A_61, %dma_start3A_62] : memref<8x32x128xf32, #tpu.memory_space<vmem>> -> memref<1x32x128xf32, #tpu.memory_space<vmem>>
      %dma_start3A_64 = tpu.memref_squeeze %dma_start3A_63 : memref<1x32x128xf32, #tpu.memory_space<vmem>> -> memref<32x128xf32, #tpu.memory_space<vmem>>
      %dma_start3A_65 = arith.constant 0 : i32
      %dma_start3A_66 = tpu.memref_slice %arg2[%dma_start3A_65, %mul3A_51] : memref<32x1000000xf32, #tpu.memory_space<hbm>> -> memref<32x128xf32, #tpu.memory_space<hbm>>
      tpu.enqueue_dma source(%dma_start3A_66 : memref<32x128xf32, #tpu.memory_space<hbm>>) target(%dma_start3A_64 : memref<32x128xf32, #tpu.memory_space<vmem>>) target_semaphore(%dma_start3A_60 : memref<!tpu.dma_semaphore, #tpu.memory_space<semaphore_mem>>)
    } else {
    }
    %gt3A_26 = arith.constant 4 : i32
    %gt3A_27 = arith.cmpi sgt, %add3A_7, %gt3A_26 : i32
    %convert_element_type3A_28 = arith.extui %gt3A_27 : i1 to i32
    %cond3A_29 = arith.constant 0 : i32
    %cond3A_30 = arith.cmpi ne, %convert_element_type3A_28, %cond3A_29 : i32
    scf.if %cond3A_30 {
      %add3A_48 = arith.constant 4 : i32
      %add3A_49 = arith.addi %add3A_4, %add3A_48 : i32
      %mul3A_50 = arith.constant 128 : i32
      %mul3A_51 = arith.muli %add3A_49, %mul3A_50 : i32
      %dma_start3A = arith.constant 4 : i32
      %dma_start3A_52 = arith.constant 4 : i32
      %dma_start3A_53 = arith.constant 0 : i32
      %dma_start3A_54 = arith.constant 0 : i32
      %dma_start3A_55 = tpu.memref_slice %arg4[%dma_start3A, %dma_start3A_53, %dma_start3A_54] : memref<8x32x128xf32, #tpu.memory_space<vmem>> -> memref<1x32x128xf32, #tpu.memory_space<vmem>>
      %dma_start3A_56 = tpu.memref_squeeze %dma_start3A_55 : memref<1x32x128xf32, #tpu.memory_space<vmem>> -> memref<32x128xf32, #tpu.memory_space<vmem>>
      %dma_start3A_57 = arith.constant 0 : i32
      %dma_start3A_58 = tpu.memref_slice %arg2[%dma_start3A_57, %mul3A_51] : memref<32x1000000xf32, #tpu.memory_space<hbm>> -> memref<32x128xf32, #tpu.memory_space<hbm>>
      %dma_start3A_59 = tpu.memref_slice %arg5[%dma_start3A_52] : memref<8x!tpu.dma_semaphore, #tpu.memory_space<semaphore_mem>> -> memref<1x!tpu.dma_semaphore, #tpu.memory_space<semaphore_mem>>
      %dma_start3A_60 = tpu.memref_squeeze %dma_start3A_59 : memref<1x!tpu.dma_semaphore, #tpu.memory_space<semaphore_mem>> -> memref<!tpu.dma_semaphore, #tpu.memory_space<semaphore_mem>>
      %dma_start3A_61 = arith.constant 0 : i32
      %dma_start3A_62 = arith.constant 0 : i32
      %dma_start3A_63 = tpu.memref_slice %arg4[%dma_start3A, %dma_start3A_61, %dma_start3A_62] : memref<8x32x128xf32, #tpu.memory_space<vmem>> -> memref<1x32x128xf32, #tpu.memory_space<vmem>>
      %dma_start3A_64 = tpu.memref_squeeze %dma_start3A_63 : memref<1x32x128xf32, #tpu.memory_space<vmem>> -> memref<32x128xf32, #tpu.memory_space<vmem>>
      %dma_start3A_65 = arith.constant 0 : i32
      %dma_start3A_66 = tpu.memref_slice %arg2[%dma_start3A_65, %mul3A_51] : memref<32x1000000xf32, #tpu.memory_space<hbm>> -> memref<32x128xf32, #tpu.memory_space<hbm>>
      tpu.enqueue_dma source(%dma_start3A_66 : memref<32x128xf32, #tpu.memory_space<hbm>>) target(%dma_start3A_64 : memref<32x128xf32, #tpu.memory_space<vmem>>) target_semaphore(%dma_start3A_60 : memref<!tpu.dma_semaphore, #tpu.memory_space<semaphore_mem>>)
    } else {
    }
    %gt3A_31 = arith.constant 5 : i32
    %gt3A_32 = arith.cmpi sgt, %add3A_7, %gt3A_31 : i32
    %convert_element_type3A_33 = arith.extui %gt3A_32 : i1 to i32
    %cond3A_34 = arith.constant 0 : i32
    %cond3A_35 = arith.cmpi ne, %convert_element_type3A_33, %cond3A_34 : i32
    scf.if %cond3A_35 {
      %add3A_48 = arith.constant 5 : i32
      %add3A_49 = arith.addi %add3A_4, %add3A_48 : i32
      %mul3A_50 = arith.constant 128 : i32
      %mul3A_51 = arith.muli %add3A_49, %mul3A_50 : i32
      %dma_start3A = arith.constant 5 : i32
      %dma_start3A_52 = arith.constant 5 : i32
      %dma_start3A_53 = arith.constant 0 : i32
      %dma_start3A_54 = arith.constant 0 : i32
      %dma_start3A_55 = tpu.memref_slice %arg4[%dma_start3A, %dma_start3A_53, %dma_start3A_54] : memref<8x32x128xf32, #tpu.memory_space<vmem>> -> memref<1x32x128xf32, #tpu.memory_space<vmem>>
      %dma_start3A_56 = tpu.memref_squeeze %dma_start3A_55 : memref<1x32x128xf32, #tpu.memory_space<vmem>> -> memref<32x128xf32, #tpu.memory_space<vmem>>
      %dma_start3A_57 = arith.constant 0 : i32
      %dma_start3A_58 = tpu.memref_slice %arg2[%dma_start3A_57, %mul3A_51] : memref<32x1000000xf32, #tpu.memory_space<hbm>> -> memref<32x128xf32, #tpu.memory_space<hbm>>
      %dma_start3A_59 = tpu.memref_slice %arg5[%dma_start3A_52] : memref<8x!tpu.dma_semaphore, #tpu.memory_space<semaphore_mem>> -> memref<1x!tpu.dma_semaphore, #tpu.memory_space<semaphore_mem>>
      %dma_start3A_60 = tpu.memref_squeeze %dma_start3A_59 : memref<1x!tpu.dma_semaphore, #tpu.memory_space<semaphore_mem>> -> memref<!tpu.dma_semaphore, #tpu.memory_space<semaphore_mem>>
      %dma_start3A_61 = arith.constant 0 : i32
      %dma_start3A_62 = arith.constant 0 : i32
      %dma_start3A_63 = tpu.memref_slice %arg4[%dma_start3A, %dma_start3A_61, %dma_start3A_62] : memref<8x32x128xf32, #tpu.memory_space<vmem>> -> memref<1x32x128xf32, #tpu.memory_space<vmem>>
      %dma_start3A_64 = tpu.memref_squeeze %dma_start3A_63 : memref<1x32x128xf32, #tpu.memory_space<vmem>> -> memref<32x128xf32, #tpu.memory_space<vmem>>
      %dma_start3A_65 = arith.constant 0 : i32
      %dma_start3A_66 = tpu.memref_slice %arg2[%dma_start3A_65, %mul3A_51] : memref<32x1000000xf32, #tpu.memory_space<hbm>> -> memref<32x128xf32, #tpu.memory_space<hbm>>
      tpu.enqueue_dma source(%dma_start3A_66 : memref<32x128xf32, #tpu.memory_space<hbm>>) target(%dma_start3A_64 : memref<32x128xf32, #tpu.memory_space<vmem>>) target_semaphore(%dma_start3A_60 : memref<!tpu.dma_semaphore, #tpu.memory_space<semaphore_mem>>)
    } else {
    }
    %while3A = arith.constant 0 : i32
    %while3A_36 = arith.subi %add3A_7, %while3A : i32
    %while3A_37 = arith.addi %while3A, %while3A_36 : i32
    %while3A_38 = arith.constant 1 : i32
    %while3A_39 = arith.divsi %while3A_36, %while3A_38 : i32
    %while3A_40 = arith.muli %while3A_39, %while3A_38 : i32
    %while3A_41 = arith.addi %while3A, %while3A_40 : i32
    %while3A_42 = arith.constant 1 : i32
    scf.for %while3A_48 = %while3A to %while3A_41 step %while3A_42  : i32 {
      %rem3A = arith.constant 8 : i32
      %rem3A_49 = arith.remsi %while3A_48, %rem3A : i32
      %add3A_50 = arith.constant 6 : i32
      %add3A_51 = arith.addi %while3A_48, %add3A_50 : i32
      %rem3A_52 = arith.constant 8 : i32
      %rem3A_53 = arith.remsi %add3A_51, %rem3A_52 : i32
      %add3A_54 = arith.addi %add3A_4, %while3A_48 : i32
      %dma_wait3A = arith.constant 0 : i32
      %dma_wait3A_55 = arith.constant 0 : i32
      %dma_wait3A_56 = tpu.memref_slice %arg4[%rem3A_49, %dma_wait3A, %dma_wait3A_55] : memref<8x32x128xf32, #tpu.memory_space<vmem>> -> memref<1x32x128xf32, #tpu.memory_space<vmem>>
      %dma_wait3A_57 = tpu.memref_squeeze %dma_wait3A_56 : memref<1x32x128xf32, #tpu.memory_space<vmem>> -> memref<32x128xf32, #tpu.memory_space<vmem>>
      %dma_wait3A_58 = arith.constant 0 : i32
      %dma_wait3A_59 = arith.constant 0 : i32
      %dma_wait3A_60 = tpu.memref_slice %arg2[%dma_wait3A_58, %dma_wait3A_59] : memref<32x1000000xf32, #tpu.memory_space<hbm>> -> memref<32x128xf32, #tpu.memory_space<hbm>>
      %dma_wait3A_61 = tpu.memref_slice %arg5[%rem3A_49] : memref<8x!tpu.dma_semaphore, #tpu.memory_space<semaphore_mem>> -> memref<1x!tpu.dma_semaphore, #tpu.memory_space<semaphore_mem>>
      %dma_wait3A_62 = tpu.memref_squeeze %dma_wait3A_61 : memref<1x!tpu.dma_semaphore, #tpu.memory_space<semaphore_mem>> -> memref<!tpu.dma_semaphore, #tpu.memory_space<semaphore_mem>>
      %dma_wait3A_63 = arith.constant 0 : i32
      %dma_wait3A_64 = arith.constant 0 : i32
      %dma_wait3A_65 = tpu.memref_slice %arg4[%rem3A_49, %dma_wait3A_63, %dma_wait3A_64] : memref<8x32x128xf32, #tpu.memory_space<vmem>> -> memref<1x32x128xf32, #tpu.memory_space<vmem>>
      %dma_wait3A_66 = tpu.memref_squeeze %dma_wait3A_65 : memref<1x32x128xf32, #tpu.memory_space<vmem>> -> memref<32x128xf32, #tpu.memory_space<vmem>>
      %dma_wait3A_67 = arith.constant 0 : i32
      %dma_wait3A_68 = arith.constant 0 : i32
      %dma_wait3A_69 = tpu.memref_slice %arg2[%dma_wait3A_67, %dma_wait3A_68] : memref<32x1000000xf32, #tpu.memory_space<hbm>> -> memref<32x128xf32, #tpu.memory_space<hbm>>
      tpu.wait_dma2 semaphore(%dma_wait3A_62 : memref<!tpu.dma_semaphore, #tpu.memory_space<semaphore_mem>>) src(%dma_wait3A_69 : memref<32x128xf32, #tpu.memory_space<hbm>>) dst(%dma_wait3A_66 : memref<32x128xf32, #tpu.memory_space<vmem>>)
      %add3A_70 = arith.constant 6 : i32
      %add3A_71 = arith.addi %while3A_48, %add3A_70 : i32
      %lt3A_72 = arith.cmpi slt, %add3A_71, %add3A_7 : i32
      %convert_element_type3A_73 = arith.extui %lt3A_72 : i1 to i32
      %cond3A_74 = arith.constant 0 : i32
      %cond3A_75 = arith.cmpi ne, %convert_element_type3A_73, %cond3A_74 : i32
      scf.if %cond3A_75 {
        %ge3A = arith.constant 2 : i32
        %ge3A_93 = arith.cmpi sge, %while3A_48, %ge3A : i32
        %convert_element_type3A_94 = arith.extui %ge3A_93 : i1 to i32
        %cond3A_95 = arith.constant 0 : i32
        %cond3A_96 = arith.cmpi ne, %convert_element_type3A_94, %cond3A_95 : i32
        scf.if %cond3A_96 {
          %dma_wait3A_115 = arith.constant 0 : i32
          %dma_wait3A_116 = arith.constant 0 : i32
          %dma_wait3A_117 = arith.constant 0 : i32
          %dma_wait3A_118 = arith.constant 0 : i32
          %dma_wait3A_119 = tpu.memref_slice %arg4[%dma_wait3A_115, %dma_wait3A_117, %dma_wait3A_118] : memref<8x32x128xf32, #tpu.memory_space<vmem>> -> memref<1x32x128xf32, #tpu.memory_space<vmem>>
          %dma_wait3A_120 = tpu.memref_squeeze %dma_wait3A_119 : memref<1x32x128xf32, #tpu.memory_space<vmem>> -> memref<32x128xf32, #tpu.memory_space<vmem>>
          %dma_wait3A_121 = arith.constant 0 : i32
          %dma_wait3A_122 = arith.constant 0 : i32
          %dma_wait3A_123 = tpu.memref_slice %arg3[%dma_wait3A_116, %dma_wait3A_121, %dma_wait3A_122] : memref<7813x32x128xf32, #tpu.memory_space<hbm>> -> memref<1x32x128xf32, #tpu.memory_space<hbm>>
          %dma_wait3A_124 = tpu.memref_squeeze %dma_wait3A_123 : memref<1x32x128xf32, #tpu.memory_space<hbm>> -> memref<32x128xf32, #tpu.memory_space<hbm>>
          %dma_wait3A_125 = tpu.memref_slice %arg6[%rem3A_53] : memref<8x!tpu.dma_semaphore, #tpu.memory_space<semaphore_mem>> -> memref<1x!tpu.dma_semaphore, #tpu.memory_space<semaphore_mem>>
          %dma_wait3A_126 = tpu.memref_squeeze %dma_wait3A_125 : memref<1x!tpu.dma_semaphore, #tpu.memory_space<semaphore_mem>> -> memref<!tpu.dma_semaphore, #tpu.memory_space<semaphore_mem>>
          %dma_wait3A_127 = arith.constant 0 : i32
          %dma_wait3A_128 = arith.constant 0 : i32
          %dma_wait3A_129 = tpu.memref_slice %arg3[%dma_wait3A_116, %dma_wait3A_127, %dma_wait3A_128] : memref<7813x32x128xf32, #tpu.memory_space<hbm>> -> memref<1x32x128xf32, #tpu.memory_space<hbm>>
          %dma_wait3A_130 = tpu.memref_squeeze %dma_wait3A_129 : memref<1x32x128xf32, #tpu.memory_space<hbm>> -> memref<32x128xf32, #tpu.memory_space<hbm>>
          %dma_wait3A_131 = arith.constant 0 : i32
          %dma_wait3A_132 = arith.constant 0 : i32
          %dma_wait3A_133 = tpu.memref_slice %arg4[%dma_wait3A_115, %dma_wait3A_131, %dma_wait3A_132] : memref<8x32x128xf32, #tpu.memory_space<vmem>> -> memref<1x32x128xf32, #tpu.memory_space<vmem>>
          %dma_wait3A_134 = tpu.memref_squeeze %dma_wait3A_133 : memref<1x32x128xf32, #tpu.memory_space<vmem>> -> memref<32x128xf32, #tpu.memory_space<vmem>>
          tpu.wait_dma2 semaphore(%dma_wait3A_126 : memref<!tpu.dma_semaphore, #tpu.memory_space<semaphore_mem>>) src(%dma_wait3A_134 : memref<32x128xf32, #tpu.memory_space<vmem>>) dst(%dma_wait3A_130 : memref<32x128xf32, #tpu.memory_space<hbm>>)
        } else {
        }
        %add3A_97 = arith.constant 6 : i32
        %add3A_98 = arith.addi %add3A_54, %add3A_97 : i32
        %mul3A_99 = arith.constant 128 : i32
        %mul3A_100 = arith.muli %add3A_98, %mul3A_99 : i32
        %dma_start3A_101 = arith.constant 0 : i32
        %dma_start3A_102 = arith.constant 0 : i32
        %dma_start3A_103 = tpu.memref_slice %arg4[%rem3A_53, %dma_start3A_101, %dma_start3A_102] : memref<8x32x128xf32, #tpu.memory_space<vmem>> -> memref<1x32x128xf32, #tpu.memory_space<vmem>>
        %dma_start3A_104 = tpu.memref_squeeze %dma_start3A_103 : memref<1x32x128xf32, #tpu.memory_space<vmem>> -> memref<32x128xf32, #tpu.memory_space<vmem>>
        %dma_start3A_105 = arith.constant 0 : i32
        %dma_start3A_106 = tpu.memref_slice %arg2[%dma_start3A_105, %mul3A_100] : memref<32x1000000xf32, #tpu.memory_space<hbm>> -> memref<32x128xf32, #tpu.memory_space<hbm>>
        %dma_start3A_107 = tpu.memref_slice %arg5[%rem3A_53] : memref<8x!tpu.dma_semaphore, #tpu.memory_space<semaphore_mem>> -> memref<1x!tpu.dma_semaphore, #tpu.memory_space<semaphore_mem>>
        %dma_start3A_108 = tpu.memref_squeeze %dma_start3A_107 : memref<1x!tpu.dma_semaphore, #tpu.memory_space<semaphore_mem>> -> memref<!tpu.dma_semaphore, #tpu.memory_space<semaphore_mem>>
        %dma_start3A_109 = arith.constant 0 : i32
        %dma_start3A_110 = arith.constant 0 : i32
        %dma_start3A_111 = tpu.memref_slice %arg4[%rem3A_53, %dma_start3A_109, %dma_start3A_110] : memref<8x32x128xf32, #tpu.memory_space<vmem>> -> memref<1x32x128xf32, #tpu.memory_space<vmem>>
        %dma_start3A_112 = tpu.memref_squeeze %dma_start3A_111 : memref<1x32x128xf32, #tpu.memory_space<vmem>> -> memref<32x128xf32, #tpu.memory_space<vmem>>
        %dma_start3A_113 = arith.constant 0 : i32
        %dma_start3A_114 = tpu.memref_slice %arg2[%dma_start3A_113, %mul3A_100] : memref<32x1000000xf32, #tpu.memory_space<hbm>> -> memref<32x128xf32, #tpu.memory_space<hbm>>
        tpu.enqueue_dma source(%dma_start3A_114 : memref<32x128xf32, #tpu.memory_space<hbm>>) target(%dma_start3A_112 : memref<32x128xf32, #tpu.memory_space<vmem>>) target_semaphore(%dma_start3A_108 : memref<!tpu.dma_semaphore, #tpu.memory_space<semaphore_mem>>)
      } else {
      }
      %dma_start3A = arith.constant 0 : i32
      %dma_start3A_76 = arith.constant 0 : i32
      %dma_start3A_77 = tpu.memref_slice %arg4[%rem3A_49, %dma_start3A, %dma_start3A_76] : memref<8x32x128xf32, #tpu.memory_space<vmem>> -> memref<1x32x128xf32, #tpu.memory_space<vmem>>
      %dma_start3A_78 = tpu.memref_squeeze %dma_start3A_77 : memref<1x32x128xf32, #tpu.memory_space<vmem>> -> memref<32x128xf32, #tpu.memory_space<vmem>>
      %dma_start3A_79 = arith.constant 0 : i32
      %dma_start3A_80 = arith.constant 0 : i32
      %dma_start3A_81 = tpu.memref_slice %arg3[%add3A_54, %dma_start3A_79, %dma_start3A_80] : memref<7813x32x128xf32, #tpu.memory_space<hbm>> -> memref<1x32x128xf32, #tpu.memory_space<hbm>>
      %dma_start3A_82 = tpu.memref_squeeze %dma_start3A_81 : memref<1x32x128xf32, #tpu.memory_space<hbm>> -> memref<32x128xf32, #tpu.memory_space<hbm>>
      %dma_start3A_83 = tpu.memref_slice %arg6[%rem3A_49] : memref<8x!tpu.dma_semaphore, #tpu.memory_space<semaphore_mem>> -> memref<1x!tpu.dma_semaphore, #tpu.memory_space<semaphore_mem>>
      %dma_start3A_84 = tpu.memref_squeeze %dma_start3A_83 : memref<1x!tpu.dma_semaphore, #tpu.memory_space<semaphore_mem>> -> memref<!tpu.dma_semaphore, #tpu.memory_space<semaphore_mem>>
      %dma_start3A_85 = arith.constant 0 : i32
      %dma_start3A_86 = arith.constant 0 : i32
      %dma_start3A_87 = tpu.memref_slice %arg3[%add3A_54, %dma_start3A_85, %dma_start3A_86] : memref<7813x32x128xf32, #tpu.memory_space<hbm>> -> memref<1x32x128xf32, #tpu.memory_space<hbm>>
      %dma_start3A_88 = tpu.memref_squeeze %dma_start3A_87 : memref<1x32x128xf32, #tpu.memory_space<hbm>> -> memref<32x128xf32, #tpu.memory_space<hbm>>
      %dma_start3A_89 = arith.constant 0 : i32
      %dma_start3A_90 = arith.constant 0 : i32
      %dma_start3A_91 = tpu.memref_slice %arg4[%rem3A_49, %dma_start3A_89, %dma_start3A_90] : memref<8x32x128xf32, #tpu.memory_space<vmem>> -> memref<1x32x128xf32, #tpu.memory_space<vmem>>
      %dma_start3A_92 = tpu.memref_squeeze %dma_start3A_91 : memref<1x32x128xf32, #tpu.memory_space<vmem>> -> memref<32x128xf32, #tpu.memory_space<vmem>>
      tpu.enqueue_dma source(%dma_start3A_92 : memref<32x128xf32, #tpu.memory_space<vmem>>) target(%dma_start3A_88 : memref<32x128xf32, #tpu.memory_space<hbm>>) target_semaphore(%dma_start3A_84 : memref<!tpu.dma_semaphore, #tpu.memory_space<semaphore_mem>>)
    }
    %while3A_43 = arith.constant 1 : i32
    scf.for %while3A_48 = %while3A_41 to %while3A_37 step %while3A_43  : i32 {
      %rem3A = arith.constant 8 : i32
      %rem3A_49 = arith.remsi %while3A_48, %rem3A : i32
      %add3A_50 = arith.constant 6 : i32
      %add3A_51 = arith.addi %while3A_48, %add3A_50 : i32
      %rem3A_52 = arith.constant 8 : i32
      %rem3A_53 = arith.remsi %add3A_51, %rem3A_52 : i32
      %add3A_54 = arith.addi %add3A_4, %while3A_48 : i32
      %dma_wait3A = arith.constant 0 : i32
      %dma_wait3A_55 = arith.constant 0 : i32
      %dma_wait3A_56 = tpu.memref_slice %arg4[%rem3A_49, %dma_wait3A, %dma_wait3A_55] : memref<8x32x128xf32, #tpu.memory_space<vmem>> -> memref<1x32x128xf32, #tpu.memory_space<vmem>>
      %dma_wait3A_57 = tpu.memref_squeeze %dma_wait3A_56 : memref<1x32x128xf32, #tpu.memory_space<vmem>> -> memref<32x128xf32, #tpu.memory_space<vmem>>
      %dma_wait3A_58 = arith.constant 0 : i32
      %dma_wait3A_59 = arith.constant 0 : i32
      %dma_wait3A_60 = tpu.memref_slice %arg2[%dma_wait3A_58, %dma_wait3A_59] : memref<32x1000000xf32, #tpu.memory_space<hbm>> -> memref<32x128xf32, #tpu.memory_space<hbm>>
      %dma_wait3A_61 = tpu.memref_slice %arg5[%rem3A_49] : memref<8x!tpu.dma_semaphore, #tpu.memory_space<semaphore_mem>> -> memref<1x!tpu.dma_semaphore, #tpu.memory_space<semaphore_mem>>
      %dma_wait3A_62 = tpu.memref_squeeze %dma_wait3A_61 : memref<1x!tpu.dma_semaphore, #tpu.memory_space<semaphore_mem>> -> memref<!tpu.dma_semaphore, #tpu.memory_space<semaphore_mem>>
      %dma_wait3A_63 = arith.constant 0 : i32
      %dma_wait3A_64 = arith.constant 0 : i32
      %dma_wait3A_65 = tpu.memref_slice %arg4[%rem3A_49, %dma_wait3A_63, %dma_wait3A_64] : memref<8x32x128xf32, #tpu.memory_space<vmem>> -> memref<1x32x128xf32, #tpu.memory_space<vmem>>
      %dma_wait3A_66 = tpu.memref_squeeze %dma_wait3A_65 : memref<1x32x128xf32, #tpu.memory_space<vmem>> -> memref<32x128xf32, #tpu.memory_space<vmem>>
      %dma_wait3A_67 = arith.constant 0 : i32
      %dma_wait3A_68 = arith.constant 0 : i32
      %dma_wait3A_69 = tpu.memref_slice %arg2[%dma_wait3A_67, %dma_wait3A_68] : memref<32x1000000xf32, #tpu.memory_space<hbm>> -> memref<32x128xf32, #tpu.memory_space<hbm>>
      tpu.wait_dma2 semaphore(%dma_wait3A_62 : memref<!tpu.dma_semaphore, #tpu.memory_space<semaphore_mem>>) src(%dma_wait3A_69 : memref<32x128xf32, #tpu.memory_space<hbm>>) dst(%dma_wait3A_66 : memref<32x128xf32, #tpu.memory_space<vmem>>)
      %add3A_70 = arith.constant 6 : i32
      %add3A_71 = arith.addi %while3A_48, %add3A_70 : i32
      %lt3A_72 = arith.cmpi slt, %add3A_71, %add3A_7 : i32
      %convert_element_type3A_73 = arith.extui %lt3A_72 : i1 to i32
      %cond3A_74 = arith.constant 0 : i32
      %cond3A_75 = arith.cmpi ne, %convert_element_type3A_73, %cond3A_74 : i32
      scf.if %cond3A_75 {
        %ge3A = arith.constant 2 : i32
        %ge3A_93 = arith.cmpi sge, %while3A_48, %ge3A : i32
        %convert_element_type3A_94 = arith.extui %ge3A_93 : i1 to i32
        %cond3A_95 = arith.constant 0 : i32
        %cond3A_96 = arith.cmpi ne, %convert_element_type3A_94, %cond3A_95 : i32
        scf.if %cond3A_96 {
          %dma_wait3A_115 = arith.constant 0 : i32
          %dma_wait3A_116 = arith.constant 0 : i32
          %dma_wait3A_117 = arith.constant 0 : i32
          %dma_wait3A_118 = arith.constant 0 : i32
          %dma_wait3A_119 = tpu.memref_slice %arg4[%dma_wait3A_115, %dma_wait3A_117, %dma_wait3A_118] : memref<8x32x128xf32, #tpu.memory_space<vmem>> -> memref<1x32x128xf32, #tpu.memory_space<vmem>>
          %dma_wait3A_120 = tpu.memref_squeeze %dma_wait3A_119 : memref<1x32x128xf32, #tpu.memory_space<vmem>> -> memref<32x128xf32, #tpu.memory_space<vmem>>
          %dma_wait3A_121 = arith.constant 0 : i32
          %dma_wait3A_122 = arith.constant 0 : i32
          %dma_wait3A_123 = tpu.memref_slice %arg3[%dma_wait3A_116, %dma_wait3A_121, %dma_wait3A_122] : memref<7813x32x128xf32, #tpu.memory_space<hbm>> -> memref<1x32x128xf32, #tpu.memory_space<hbm>>
          %dma_wait3A_124 = tpu.memref_squeeze %dma_wait3A_123 : memref<1x32x128xf32, #tpu.memory_space<hbm>> -> memref<32x128xf32, #tpu.memory_space<hbm>>
          %dma_wait3A_125 = tpu.memref_slice %arg6[%rem3A_53] : memref<8x!tpu.dma_semaphore, #tpu.memory_space<semaphore_mem>> -> memref<1x!tpu.dma_semaphore, #tpu.memory_space<semaphore_mem>>
          %dma_wait3A_126 = tpu.memref_squeeze %dma_wait3A_125 : memref<1x!tpu.dma_semaphore, #tpu.memory_space<semaphore_mem>> -> memref<!tpu.dma_semaphore, #tpu.memory_space<semaphore_mem>>
          %dma_wait3A_127 = arith.constant 0 : i32
          %dma_wait3A_128 = arith.constant 0 : i32
          %dma_wait3A_129 = tpu.memref_slice %arg3[%dma_wait3A_116, %dma_wait3A_127, %dma_wait3A_128] : memref<7813x32x128xf32, #tpu.memory_space<hbm>> -> memref<1x32x128xf32, #tpu.memory_space<hbm>>
          %dma_wait3A_130 = tpu.memref_squeeze %dma_wait3A_129 : memref<1x32x128xf32, #tpu.memory_space<hbm>> -> memref<32x128xf32, #tpu.memory_space<hbm>>
          %dma_wait3A_131 = arith.constant 0 : i32
          %dma_wait3A_132 = arith.constant 0 : i32
          %dma_wait3A_133 = tpu.memref_slice %arg4[%dma_wait3A_115, %dma_wait3A_131, %dma_wait3A_132] : memref<8x32x128xf32, #tpu.memory_space<vmem>> -> memref<1x32x128xf32, #tpu.memory_space<vmem>>
          %dma_wait3A_134 = tpu.memref_squeeze %dma_wait3A_133 : memref<1x32x128xf32, #tpu.memory_space<vmem>> -> memref<32x128xf32, #tpu.memory_space<vmem>>
          tpu.wait_dma2 semaphore(%dma_wait3A_126 : memref<!tpu.dma_semaphore, #tpu.memory_space<semaphore_mem>>) src(%dma_wait3A_134 : memref<32x128xf32, #tpu.memory_space<vmem>>) dst(%dma_wait3A_130 : memref<32x128xf32, #tpu.memory_space<hbm>>)
        } else {
        }
        %add3A_97 = arith.constant 6 : i32
        %add3A_98 = arith.addi %add3A_54, %add3A_97 : i32
        %mul3A_99 = arith.constant 128 : i32
        %mul3A_100 = arith.muli %add3A_98, %mul3A_99 : i32
        %dma_start3A_101 = arith.constant 0 : i32
        %dma_start3A_102 = arith.constant 0 : i32
        %dma_start3A_103 = tpu.memref_slice %arg4[%rem3A_53, %dma_start3A_101, %dma_start3A_102] : memref<8x32x128xf32, #tpu.memory_space<vmem>> -> memref<1x32x128xf32, #tpu.memory_space<vmem>>
        %dma_start3A_104 = tpu.memref_squeeze %dma_start3A_103 : memref<1x32x128xf32, #tpu.memory_space<vmem>> -> memref<32x128xf32, #tpu.memory_space<vmem>>
        %dma_start3A_105 = arith.constant 0 : i32
        %dma_start3A_106 = tpu.memref_slice %arg2[%dma_start3A_105, %mul3A_100] : memref<32x1000000xf32, #tpu.memory_space<hbm>> -> memref<32x128xf32, #tpu.memory_space<hbm>>
        %dma_start3A_107 = tpu.memref_slice %arg5[%rem3A_53] : memref<8x!tpu.dma_semaphore, #tpu.memory_space<semaphore_mem>> -> memref<1x!tpu.dma_semaphore, #tpu.memory_space<semaphore_mem>>
        %dma_start3A_108 = tpu.memref_squeeze %dma_start3A_107 : memref<1x!tpu.dma_semaphore, #tpu.memory_space<semaphore_mem>> -> memref<!tpu.dma_semaphore, #tpu.memory_space<semaphore_mem>>
        %dma_start3A_109 = arith.constant 0 : i32
        %dma_start3A_110 = arith.constant 0 : i32
        %dma_start3A_111 = tpu.memref_slice %arg4[%rem3A_53, %dma_start3A_109, %dma_start3A_110] : memref<8x32x128xf32, #tpu.memory_space<vmem>> -> memref<1x32x128xf32, #tpu.memory_space<vmem>>
        %dma_start3A_112 = tpu.memref_squeeze %dma_start3A_111 : memref<1x32x128xf32, #tpu.memory_space<vmem>> -> memref<32x128xf32, #tpu.memory_space<vmem>>
        %dma_start3A_113 = arith.constant 0 : i32
        %dma_start3A_114 = tpu.memref_slice %arg2[%dma_start3A_113, %mul3A_100] : memref<32x1000000xf32, #tpu.memory_space<hbm>> -> memref<32x128xf32, #tpu.memory_space<hbm>>
        tpu.enqueue_dma source(%dma_start3A_114 : memref<32x128xf32, #tpu.memory_space<hbm>>) target(%dma_start3A_112 : memref<32x128xf32, #tpu.memory_space<vmem>>) target_semaphore(%dma_start3A_108 : memref<!tpu.dma_semaphore, #tpu.memory_space<semaphore_mem>>)
      } else {
      }
      %dma_start3A = arith.constant 0 : i32
      %dma_start3A_76 = arith.constant 0 : i32
      %dma_start3A_77 = tpu.memref_slice %arg4[%rem3A_49, %dma_start3A, %dma_start3A_76] : memref<8x32x128xf32, #tpu.memory_space<vmem>> -> memref<1x32x128xf32, #tpu.memory_space<vmem>>
      %dma_start3A_78 = tpu.memref_squeeze %dma_start3A_77 : memref<1x32x128xf32, #tpu.memory_space<vmem>> -> memref<32x128xf32, #tpu.memory_space<vmem>>
      %dma_start3A_79 = arith.constant 0 : i32
      %dma_start3A_80 = arith.constant 0 : i32
      %dma_start3A_81 = tpu.memref_slice %arg3[%add3A_54, %dma_start3A_79, %dma_start3A_80] : memref<7813x32x128xf32, #tpu.memory_space<hbm>> -> memref<1x32x128xf32, #tpu.memory_space<hbm>>
      %dma_start3A_82 = tpu.memref_squeeze %dma_start3A_81 : memref<1x32x128xf32, #tpu.memory_space<hbm>> -> memref<32x128xf32, #tpu.memory_space<hbm>>
      %dma_start3A_83 = tpu.memref_slice %arg6[%rem3A_49] : memref<8x!tpu.dma_semaphore, #tpu.memory_space<semaphore_mem>> -> memref<1x!tpu.dma_semaphore, #tpu.memory_space<semaphore_mem>>
      %dma_start3A_84 = tpu.memref_squeeze %dma_start3A_83 : memref<1x!tpu.dma_semaphore, #tpu.memory_space<semaphore_mem>> -> memref<!tpu.dma_semaphore, #tpu.memory_space<semaphore_mem>>
      %dma_start3A_85 = arith.constant 0 : i32
      %dma_start3A_86 = arith.constant 0 : i32
      %dma_start3A_87 = tpu.memref_slice %arg3[%add3A_54, %dma_start3A_85, %dma_start3A_86] : memref<7813x32x128xf32, #tpu.memory_space<hbm>> -> memref<1x32x128xf32, #tpu.memory_space<hbm>>
      %dma_start3A_88 = tpu.memref_squeeze %dma_start3A_87 : memref<1x32x128xf32, #tpu.memory_space<hbm>> -> memref<32x128xf32, #tpu.memory_space<hbm>>
      %dma_start3A_89 = arith.constant 0 : i32
      %dma_start3A_90 = arith.constant 0 : i32
      %dma_start3A_91 = tpu.memref_slice %arg4[%rem3A_49, %dma_start3A_89, %dma_start3A_90] : memref<8x32x128xf32, #tpu.memory_space<vmem>> -> memref<1x32x128xf32, #tpu.memory_space<vmem>>
      %dma_start3A_92 = tpu.memref_squeeze %dma_start3A_91 : memref<1x32x128xf32, #tpu.memory_space<vmem>> -> memref<32x128xf32, #tpu.memory_space<vmem>>
      tpu.enqueue_dma source(%dma_start3A_92 : memref<32x128xf32, #tpu.memory_space<vmem>>) target(%dma_start3A_88 : memref<32x128xf32, #tpu.memory_space<hbm>>) target_semaphore(%dma_start3A_84 : memref<!tpu.dma_semaphore, #tpu.memory_space<semaphore_mem>>)
    }
    %scan3A = arith.constant 0 : i32
    %scan3A_44 = arith.constant 8 : i32
    %scan3A_45 = arith.addi %scan3A, %scan3A_44 : i32
    %scan3A_46 = arith.constant 1 : i32
    scf.for %scan3A_48 = %scan3A to %scan3A_45 step %scan3A_46  : i32 {
      %min3A_49 = arith.constant 8 : i32
      %min3A_50 = arith.minsi %add3A_7, %min3A_49 : i32
      %gt3A_51 = arith.cmpi sgt, %min3A_50, %scan3A_48 : i32
      %convert_element_type3A_52 = arith.extui %gt3A_51 : i1 to i32
      %cond3A_53 = arith.constant 0 : i32
      %cond3A_54 = arith.cmpi ne, %convert_element_type3A_52, %cond3A_53 : i32
      scf.if %cond3A_54 {
        %dma_wait3A = arith.constant 0 : i32
        %dma_wait3A_55 = arith.constant 0 : i32
        %dma_wait3A_56 = arith.constant 0 : i32
        %dma_wait3A_57 = arith.constant 0 : i32
        %dma_wait3A_58 = tpu.memref_slice %arg4[%dma_wait3A, %dma_wait3A_56, %dma_wait3A_57] : memref<8x32x128xf32, #tpu.memory_space<vmem>> -> memref<1x32x128xf32, #tpu.memory_space<vmem>>
        %dma_wait3A_59 = tpu.memref_squeeze %dma_wait3A_58 : memref<1x32x128xf32, #tpu.memory_space<vmem>> -> memref<32x128xf32, #tpu.memory_space<vmem>>
        %dma_wait3A_60 = arith.constant 0 : i32
        %dma_wait3A_61 = arith.constant 0 : i32
        %dma_wait3A_62 = tpu.memref_slice %arg3[%dma_wait3A_55, %dma_wait3A_60, %dma_wait3A_61] : memref<7813x32x128xf32, #tpu.memory_space<hbm>> -> memref<1x32x128xf32, #tpu.memory_space<hbm>>
        %dma_wait3A_63 = tpu.memref_squeeze %dma_wait3A_62 : memref<1x32x128xf32, #tpu.memory_space<hbm>> -> memref<32x128xf32, #tpu.memory_space<hbm>>
        %dma_wait3A_64 = tpu.memref_slice %arg6[%scan3A_48] : memref<8x!tpu.dma_semaphore, #tpu.memory_space<semaphore_mem>> -> memref<1x!tpu.dma_semaphore, #tpu.memory_space<semaphore_mem>>
        %dma_wait3A_65 = tpu.memref_squeeze %dma_wait3A_64 : memref<1x!tpu.dma_semaphore, #tpu.memory_space<semaphore_mem>> -> memref<!tpu.dma_semaphore, #tpu.memory_space<semaphore_mem>>
        %dma_wait3A_66 = arith.constant 0 : i32
        %dma_wait3A_67 = arith.constant 0 : i32
        %dma_wait3A_68 = tpu.memref_slice %arg3[%dma_wait3A_55, %dma_wait3A_66, %dma_wait3A_67] : memref<7813x32x128xf32, #tpu.memory_space<hbm>> -> memref<1x32x128xf32, #tpu.memory_space<hbm>>
        %dma_wait3A_69 = tpu.memref_squeeze %dma_wait3A_68 : memref<1x32x128xf32, #tpu.memory_space<hbm>> -> memref<32x128xf32, #tpu.memory_space<hbm>>
        %dma_wait3A_70 = arith.constant 0 : i32
        %dma_wait3A_71 = arith.constant 0 : i32
        %dma_wait3A_72 = tpu.memref_slice %arg4[%dma_wait3A, %dma_wait3A_70, %dma_wait3A_71] : memref<8x32x128xf32, #tpu.memory_space<vmem>> -> memref<1x32x128xf32, #tpu.memory_space<vmem>>
        %dma_wait3A_73 = tpu.memref_squeeze %dma_wait3A_72 : memref<1x32x128xf32, #tpu.memory_space<vmem>> -> memref<32x128xf32, #tpu.memory_space<vmem>>
        tpu.wait_dma2 semaphore(%dma_wait3A_65 : memref<!tpu.dma_semaphore, #tpu.memory_space<semaphore_mem>>) src(%dma_wait3A_73 : memref<32x128xf32, #tpu.memory_space<vmem>>) dst(%dma_wait3A_69 : memref<32x128xf32, #tpu.memory_space<hbm>>)
      } else {
      }
    }
    %scan3A_47 = arith.constant 8 : i32
    return
  }
}

</mosaic_0001>

<sc_bundles>
// kernel: _conv.3.cloned.1.call-start
scs
__scs_entry_jumppad:
0x0: {  	(pc) =	sbr.rel $0x88, $3  }
0x1: {  	(tag) =	ssettag $0x0;
	lr =	simm.s32 $0x1  }
0x2: {  	[smem:$0x3FA0] =	sst lr;
	_ =	strace $0xD0000000  }
0x3: {  	_ = 	snop  }
0x4: {  	_ = 	snop  }
0x5: {  	_ = 	snop  }
0x6: {  	_ = 	snop  }
0x7: {  	_ = 	snop  }
__scs_overlays_trampoline_lowered:
0x8: {  	[smem:$0x3FAF] =	sst s0  }
0x9: {  	[smem:$0x3FB0] =	sst s1  }
0xa: {  	[smem:$0x3FB1] =	sst s2  }
0xb: {  	[smem:$0x3FB2] =	sst s3  }
0xc: {  	[smem:$0x3FB3] =	sst s4  }
0xd: {  	[smem:$0x3FB4] =	sst s5  }
0xe: {  	[smem:$0x3FB5] =	sst s6  }
0xf: {  	[smem:$0x3FB6] =	sst s7  }
0x10: {  	[smem:$0x3FB7] =	sst s8  }
0x11: {  	[smem:$0x3FB8] =	sst s9;
	s0 =	simm.s32 @!p0 $0x0  }
0x12: {  	s1 =	sld [smem:$0x3F9E];
	s0 =	simm.s32 @p0 $0x1  }
0x13: {  	[smem:$0x3FB9] =	sst s0;
	s0 =	simm.s32 @!p1 $0x0  }
0x14: {  	s2 =	sld [smem:$0x3F9D];
	s0 =	simm.s32 @p1 $0x1  }
0x15: {  	[smem:$0x3FBA] =	sst s0;
	s0 =	simm.s32 @!p2 $0x0  }
0x16: {  	s3 =	sld [smem:$0x3FDB];
	s0 =	simm.s32 @p2 $0x1  }
0x17: {  	s4 =	simm.s32 $0x1BF5;
	[smem:$0x3FBC] =	sst s0  }
0x18: {  	s0 =	sld [smem:$0x3F9F];
	_ =	swait.ge [sflag:s4], $0x0  }
0x19: {  	s7 =	sld [smem:$0x3FA0]  }
0x1a: {  	s8 =	sadd.s32 $0xFFFFE003, lr  }
0x1b: {  	s9 =	sadd.s32 $0xFFFFFEF7, lr;
	s5 =	simm.s32 $0xFFFFFFFF;
	p2 =	slt.u32 s8, $0xFFFFF086  }
0x1c: {  	p1 =	slt.u32 s9, $0xF7A;
	s5 =	simm.s32 @!p2 $0x0  }
0x1d: {  	s5 =	simm.s32 @p1 $0x1;
	p0 =	seq.s32 s7, s2  }
0x1e: {  	s7 =	smul.u32 @!p0 $0xF7A, s2;
	p2 =	seq.s32 @!p0 s5, $0x0  }
0x1f: {  	s9 =	smul.u32 $0xF7A, s1;
	s8 =	simm.s32 @!p0 $0x1BF5;
	p2 =	por !p2, p0  }
0x20: {  	[sflag:s8] =	ssyncset.s32 @!p0 $0xFFFFF086;
	s6 =	sadd.s32 @!p0 s3, s7;
	s7 =	simm.s32 @!p0 $0x108  }
0x21: {  	s3 =	sadd.s32 s3, s9;
	s6 =	sadd.s32 @!p0 $0x88, s6;
	s7 =	simm.s32 @p2 $0x1082  }
0x22: {  	[simem:s7], [sflag:s8] =	dma.local @!p0 [hbm:s6], $0xF7A  }
0x23: {  	s9 =	sor.u32 $0xD0000000, s2;
	s6 =	simm.s32 $0x108;
	_ =	swait.ge @!p0 [sflag:s8], $0x0  }
0x24: {  	s3 =	sadd.s32 $0x88, s3;
	s6 =	simm.s32 @!p1 $0x1082;
	[sflag:s4] =	ssyncset.s32 $0xFFFFF086  }
0x25: {  	[simem:s6], [sflag:s4] =	dma.local [hbm:s3], $0xF7A  }
0x26: {  	[smem:$0x3FA0] =	sst s1;
	(tag) =	ssettag s2;
	_ =	strace s9  }
0x27: {  	s1 =	sld [smem:$0x3FB0]  }
0x28: {  	s2 =	sld [smem:$0x3FB1]  }
0x29: {  	s4 =	sld [smem:$0x3FB3]  }
0x2a: {  	p0 =	seq.s32 s5, $0x0;
	s5 =	sld [smem:$0x3FB4]  }
0x2b: {  	s6 =	sld [smem:$0x3FB5]  }
0x2c: {  	s7 =	sld [smem:$0x3FB6]  }
0x2d: {  	s3 =	simm.s32 $0x108;
	s8 =	sld [smem:$0x3FB7]  }
0x2e: {  	s3 =	simm.s32 @!p0 $0x1082;
	s9 =	sld [smem:$0x3FB8]  }
0x2f: {  	lr =	sadd.s32 s0, s3;
	s0 =	sld [smem:$0x3FAF]  }
0x30: {  	s3 =	sld [smem:$0x3FB2]  }
0x31: {  	[smem:$0x3FBB] =	sst s10  }
0x32: {  	s10 =	sld [smem:$0x3FB9];
	_ =	sdelay $0x3  }
0x33: {  	p0 =	seq.s32 s10, $0x1;
	s10 =	sld [smem:$0x3FBB];
	_ =	sdelay $0x3  }
0x34: {  	[smem:$0x3FBB] =	sst s10  }
0x35: {  	s10 =	sld [smem:$0x3FBA];
	_ =	sdelay $0x3  }
0x36: {  	p1 =	seq.s32 s10, $0x1;
	s10 =	sld [smem:$0x3FBB];
	_ =	sdelay $0x3  }
0x37: {  	[smem:$0x3FBB] =	sst s10  }
0x38: {  	s10 =	sld [smem:$0x3FBC]  }
0x39: {  	_ = 	snop;
	(pc) =	sbr.ind lr, $3  }
0x3a: {  	_ = 	snop  }
0x3b: {  	_ = 	snop  }
0x3c: {  	p2 =	seq.s32 s10, $0x1;
	s10 =	sld [smem:$0x3FBB]  }
0x3d: {  	_ =	shalt  }
0x3e: {  	_ =	shalt  }
0x3f: {  	_ =	shalt  }
0x40: {  	_ =	shalt  }
0x41: {  	_ =	shalt  }
0x42: {  	_ =	shalt  }
0x43: {  	_ =	shalt  }
0x44: {  	_ =	shalt  }
0x45: {  	_ =	shalt  }
0x46: {  	_ =	shalt  }
0x47: {  	_ =	shalt  }
0x48: {  	_ =	shalt  }
0x49: {  	_ =	shalt  }
0x4a: {  	_ =	shalt  }
0x4b: {  	_ =	shalt  }
0x4c: {  	_ =	shalt  }
0x4d: {  	_ =	shalt  }
0x4e: {  	_ =	shalt  }
0x4f: {  	_ =	shalt  }
0x50: {  	_ =	shalt  }
0x51: {  	_ =	shalt  }
0x52: {  	_ =	shalt  }
0x53: {  	_ =	shalt  }
0x54: {  	_ =	shalt  }
0x55: {  	_ =	shalt  }
0x56: {  	_ =	shalt  }
0x57: {  	_ =	shalt  }
0x58: {  	_ =	shalt  }
0x59: {  	_ =	shalt  }
0x5a: {  	_ =	shalt  }
0x5b: {  	_ =	shalt  }
0x5c: {  	_ =	shalt  }
0x5d: {  	_ =	shalt  }
0x5e: {  	_ =	shalt  }
0x5f: {  	_ =	shalt  }
0x60: {  	_ =	shalt  }
0x61: {  	_ =	shalt  }
0x62: {  	_ =	shalt  }
0x63: {  	_ =	shalt  }
0x64: {  	_ =	shalt  }
0x65: {  	_ =	shalt  }
0x66: {  	_ =	shalt  }
0x67: {  	_ =	shalt  }
0x68: {  	_ =	shalt  }
0x69: {  	_ =	shalt  }
0x6a: {  	_ =	shalt  }
0x6b: {  	_ =	shalt  }
0x6c: {  	_ =	shalt  }
0x6d: {  	_ =	shalt  }
0x6e: {  	_ =	shalt  }
0x6f: {  	_ =	shalt  }
0x70: {  	_ =	shalt  }
0x71: {  	_ =	shalt  }
0x72: {  	_ =	shalt  }
0x73: {  	_ =	shalt  }
0x74: {  	_ =	shalt  }
0x75: {  	_ =	shalt  }
0x76: {  	_ =	shalt  }
0x77: {  	_ =	shalt  }
0x78: {  	_ =	shalt  }
0x79: {  	_ =	shalt  }
0x7a: {  	_ =	shalt  }
0x7b: {  	_ =	shalt  }
0x7c: {  	_ =	shalt  }
0x7d: {  	_ =	shalt  }
0x7e: {  	_ =	shalt  }
0x7f: {  	_ =	shalt  }
0x80: {  	_ =	shalt  }
0x81: {  	_ =	shalt  }
0x82: {  	_ =	shalt  }
0x83: {  	_ =	shalt  }
0x84: {  	_ =	shalt  }
0x85: {  	_ =	shalt  }
0x86: {  	_ =	shalt  }
0x87: {  	_ =	shalt  }
.Lfunc_end0:
.L_simem_size_0:
called_computation_lowered:
.L_overlay_start_0:
0x88: {  	s2 =	sld [smem:$0x3FD9]  }
0x89: {  	s3 =	sld [smem:$0x3FFE];
	_ =	sdelay $0x1  }
0x8a: {  	s1 =	srdreg.scid  }
0x8b: {  	s0 =	sand.u32 $0x1, s1  }
0x8c: {  	s18 =	sshll.u32 s0, $0xA;
	s2 =	sadd.s32 s3, s2  }
0x8d: {  	s2 =	sadd.s32 s2, s18  }
0x8e: {  	[smem:$0x3FC7] =	sst s2  }
0x8f: {  	_ = 	snop  }
0x90: {  	s2 =	sld [smem:$0x3FC9]  }
0x91: {  	s19 =	sld [smem:$0x3FD0];
	(tm) =	ssettm $0x1  }
0x92: {  	s4 =	sld [smem:$0x3FFB];
	_ =	sdelay $0x3  }
0x93: {  	_ =	strace s4  }
0x94: {  	s4 =	sld [smem:$0x3FFC];
	_ =	sdelay $0x3  }
0x95: {  	_ =	strace s4  }
0x96: {  	s4 =	sld [smem:$0x3FFD];
	_ =	sdelay $0x3  }
0x97: {  	_ =	strace s4  }
0x98: {  	_ =	strace $0x8FFFFFFF  }
0x99: {  	s20 =	sld [smem:$0x3FDB];
	_ =	sdelay $0x1  }
0x9a: {  	s5 =	simm.s32 $_scs_section_size  }
0x9b: {  	s6 =	simm.s32 $_size__tile_overlayer_lowered;
	s7 =	simm.s32 $_tile_overlayer_lowered  }
0x9c: {  	s23 =	simm.s32 $0x1BFF;
	s22 =	sshll.u32 s7, $0x1;
	s4 =	sadd.s32 s5, s20  }
0x9d: {  	s8 =	simm.s32 $0x0;
	s21 =	sshll.u32 s6, $0x1;
	s6 =	sadd.s32 s22, s4  }
0x9e: {  	[timem:s8], [sflag:s23] =	dma.local [hbm:s6], s21  }
0x9f: {  	_ =	swait.ge [sflag:s23], s21  }
0xa0: {  	s5 =	ssub.s32 $0x0, s21;
	[sflag:s23] =	ssyncset.done $0x0  }
0xa1: {  	[sflag:s23] =	ssyncadd.s32 s5;
	_ =	sdelay $0x1  }
0xa2: {  	s24 =	simm.s32 $0x1B8B  }
0xa3: {  	_ =	swait.ge [sflag:s24], $0x1  }
0xa4: {  	[sflag:s24] =	ssyncset.done $0x0  }
0xa5: {  	s25 =	simm.s32 $0x1B8E;
	[sflag:s24] =	ssyncadd.s32 $0xFFFFFFFF  }
0xa6: {  	s26 =	simm.s32 $execute0_lowered;
	[smem:$0x3FD2] =	sst s25  }
0xa7: {  	s5 =	sshll.u32 s26, $0x1;
	_ =	strace $0x80000046;
	[dreg:$0x1] =	wrdreg $0xFFFFFFFF  }
0xa8: {  	s28 =	simm.s32 $_size_execute0_lowered;
	s4 =	sadd.s32 s4, s5;
	[dreg:$0x0] =	wrdreg $0x0  }
0xa9: {  	s5 =	sshll.u32 s28, $0x1;
	[dreg:$0x2] =	wrdreg s4  }
0xaa: {  	[dreg:$0x3] =	wrdreg s5  }
0xab: {  	[dreg:$0x4] =	wrdreg $0xC0  }
0xac: {  	_ =	task [dreg:s8], $0x5FFFF  }
0xad: {  	[dreg:$0x1] =	wrdreg $0xFFFFFFFF  }
0xae: {  	[dreg:$0x0] =	wrdreg $0x60  }
0xaf: {  	[dreg:$0x2] =	wrdreg s2  }
0xb0: {  	[dreg:$0x3] =	wrdreg s19  }
0xb1: {  	[dreg:$0x4] =	wrdreg $0x9  }
0xb2: {  	_ =	task.clear_ibuf [dreg:s8], $0x5FFFF;
	_ =	strace $0x90000046  }
0xb3: {  	s29 =	simm.s32 $0x9;
	_ =	strace $0x80000048  }
0xb4: {  	_ =	swait.ge [sflag:s29], $0x1  }
0xb5: {  	[sflag:s29] =	ssyncadd.s32 $0xFFFFFFFF  }
0xb6: {  	_ =	strace $0x90000048  }
0xb7: {  	_ =	sfence  }
0xb8: {  	s30 =	sld [smem:$0x0];
	_ =	sdelay $0x2  }
0xb9: {  	s31 =	sshll.u32 s1, $0xD;
	s1 =	sshrl.u32 s1, $0x2  }
0xba: {  	s3 =	sand.u32 $0x4000, s31;
	s1 =	sadd.s32 s1, s30  }
0xbb: {  	s0 =	sor.u32 s3, s0;
	s1 =	sshll.u32 s1, $0x11  }
0xbc: {  	s0 =	sor.u32 s1, s0  }
0xbd: {  	s0 =	sadd.s32 $0x8F2B, s0  }
0xbe: {  	[sflag:s0] =	ssyncadd.remote.s32 $0x1  }
0xbf: {  	_ =	sfence.sel $0xFFFF  }
0xc0: {  	[dreg:$0x0] =	wrdreg $0xFFFFFFFF;
	(pc) =	sbr.abs _section_cstart, $3  }
0xc1: {  	[dreg:$0x1] =	wrdreg $0xFFFFFFFF  }
0xc2: {  	_ =	task.clear_ibuf [dreg:s8], $0x2FFFF;
	_ =	strace $0x9FFFFFFF  }
0xc3: {  	(tm) =	ssettm $0x7FFFFFFF  }
tec
execute0_lowered:
.L_overlay_start_1:
0x0: {  	(tag) =	ssettag $0x1  }
0x1: {  	s0 =	srdreg.scid;
	s5 =	rddreg [dreg:$0x0]  }
0x2: {  	s12 =	stileid.u32;
	s7 =	rddreg [dreg:$0x1];
	s2 =	simm.s32 $0x0  }
0x3: {  	s28 =	simm.s32 $0x2;
	s30 =	simm.s32 $0x9;
	s21 =	smul.u32 $0x7A000, s12  }
0x4: {  	s31 =	simm.s32 $0xA;
	s0 =	sand.u32 $0x1, s0;
	s14 =	smul.u32 $0x1E8, s12  }
0x5: {  	s1 =	sshll.u32 s12, $0x1;
	[smem:$0x7FF] =	sst s2;
	s24 =	smul.u32 $0x3D000, s0  }
0x6: {  	s1 =	sor.u32 s0, s1;
	s8 =	ssub.s32 $0x2, s0;
	s0 =	smul.u32 $0xF4, s0  }
0x7: {  	_ =	strace $0x80000047;
	s3 =	smul.u32 $0xF4, s1;
	s10 =	sshrl.u32 s8, $0x1  }
0x8: {  	s6 =	smin.u32 s1, $0x5;
	p0 =	slt.u32 s1, $0x5;
	s15 =	ssub.s32 s8, s10  }
0x9: {  	s26 =	sshll.u32 s6, $0xA;
	s0 =	sadd.s32 s0, s14;
	s9 =	sadd.s32 s6, s3  }
0xa: {  	s3 =	simm.s32 $0xF5;
	s1 =	smax.u32 s15, $0x1;
	s0 =	sadd.s32 s6, s0  }
0xb: {  	s4 =	sshll.u32 s9, $0x7;
	s3 =	simm.s32 @!p0 $0xF4;
	[dreg:$0x8] =	wrdreg s1  }
0xc: {  	s23 =	sadd.s32 $0x1, s9;
	s9 =	sshll.u32 s9, $0x9;
	s1 =	sadd.s32 s24, s21  }
0xd: {  	s0 =	sshll.u32 s0, $0x9;
	s21 =	simm.s32 $0xD;
	s24 =	simm.s32 $0x10  }
0xe: {  	s4 =	sadd.s32 s5, s4;
	s11 =	sshll.u32 s23, $0x7;
	s9 =	sadd.s32 s7, s9  }
0xf: {  	s8 =	sshll.u32 s23, $0x9;
	s1 =	sadd.s32 s26, s1;
	s15 =	sadd.s32 $0xFFFFFFFE, s3  }
0x10: {  	s0 =	sadd.s32 s7, s0;
	s16 =	sadd.s32 $0x80, s4;
	[dreg:$0xa] =	wrdreg s9  }
0x11: {  	s23 =	simm.s32 $0xF;
	s17 =	sadd.s32 $0x100, s4;
	[dreg:$0x3] =	wrdreg s16  }
0x12: {  	s26 =	simm.s32 $0x0;
	s18 =	sadd.s32 $0x180, s4;
	[dreg:$0x4] =	wrdreg s17  }
0x13: {  	s19 =	sadd.s32 $0x200, s4;
	s20 =	sadd.s32 $0x280, s4;
	[dreg:$0x5] =	wrdreg s18  }
0x14: {  	s22 =	sadd.s32 $0x300, s4;
	s25 =	sadd.s32 s5, s11;
	[dreg:$0x6] =	wrdreg s19  }
0x15: {  	s8 =	sand.u32 $0x1FFFFE00, s8;
	s1 =	sadd.s32 $0x2000, s1;
	[dreg:$0x7] =	wrdreg s20  }
0x16: {  	[dreg:$0x9] =	wrdreg s22;
	s9 =	sadd.s32 $0x300, s25;
	s29 =	sadd.s32 s7, s8  }
0x17: {  	s1 =	sshrl.u32 s1, $0x3;
	s18 =	simm.s32 $0x400;
	s19 =	simm.s32 $0x7A1400  }
0x18: {  	s20 =	simm.s32 $0x1000;
	s25 =	simm.s32 $0x1;
	[dreg:$0xb] =	wrdreg s9  }
0x19: {  	s22 =	simm.s32 $0xE;
	[dreg:$0xc] =	wrdreg s29;
	s6 =	sadd.s32 s1, s5  }
0x1a: {  	s9 =	sadd.s32 $0x400, s0;
	s1 =	simm.s32 $0xB;
	s0 =	simm.s32 $0xC  }
.LBB2_1:
0x1b: {  	[tilespmem:s2], [sflag:$0x1] =	stream.strided.gather [hbm4b:s4+s18], $0x1000, s19, s18, $0x38;
	[tilespmem:$0x8000] =	vst v63  }
0x1c: {  	s5 =	rddreg [dreg:$0x3]  }
0x1d: {  	[tilespmem:s20], [sflag:$0x2] =	stream.strided.gather [hbm4b:s5+s18], $0x1000, s19, s18, $0x38;
	[tilespmem:$0x8000] =	vst v63  }
0x1e: {  	s12 =	rddreg [dreg:$0x4];
	s7 =	simm.s32 $0x2000  }
0x1f: {  	[tilespmem:s7], [sflag:$0x3] =	stream.strided.gather [hbm4b:s12+s18], $0x1000, s19, s18, $0x38;
	[tilespmem:$0x8000] =	vst v63  }
0x20: {  	s13 =	rddreg [dreg:$0x5];
	s14 =	simm.s32 $0x3000  }
0x21: {  	[tilespmem:s14], [sflag:$0x4] =	stream.strided.gather [hbm4b:s13+s18], $0x1000, s19, s18, $0x38;
	[tilespmem:$0x8000] =	vst v63  }
0x22: {  	s16 =	rddreg [dreg:$0x6];
	s17 =	simm.s32 $0x4000  }
0x23: {  	[tilespmem:s17], [sflag:$0x5] =	stream.strided.gather [hbm4b:s16+s18], $0x1000, s19, s18, $0x38;
	[tilespmem:$0x8000] =	vst v63  }
0x24: {  	s8 =	rddreg [dreg:$0x7];
	s10 =	simm.s32 $0x5000  }
0x25: {  	[tilespmem:s10], [sflag:$0x6] =	stream.strided.gather [hbm4b:s8+s18], $0x1000, s19, s18, $0x38;
	[tilespmem:$0x8000] =	vst v63  }
0x26: {  	_ =	swait.ge [sflag:s25], $0x1000  }
0x27: {  	[sflag:s25] =	ssyncset.done $0x0  }
0x28: {  	s12 =	simm.s32 $0x6000;
	s11 =	rddreg [dreg:$0x9];
	[sflag:s25] =	ssyncadd.s32 $0xFFFFF000  }
0x29: {  	[tilespmem:s12], [sflag:$0x7] =	stream.strided.gather [hbm4b:s11+s18], $0x1000, s19, s18, $0x38;
	[tilespmem:$0x8000] =	vst v63  }
0x2a: {  	s13 =	rddreg [dreg:$0xa]  }
0x2b: {  	[hbm4b:s13+s2] =	stream.linear.scatter [tilespmem:s2], [sflag:$0x9], $0x1000, $0x38;
	[tilespmem:$0x8000] =	vst v63  }
0x2c: {  	p1 =	sne.s32 s15, $0x1;
	_ =	swait.ge [sflag:s28], $0x1000  }
.Ltmp0:
0x2d: {  	s29 =	simm.s32 $0x1;
	[sflag:s28] =	ssyncset.done $0x0;
	(pc) =	sbr.rel @!p1 .LBB2_2-.Ltmp0, $4  }
0x2e: {  	s16 =	simm.s32 $0x7000;
	s14 =	rddreg [dreg:$0xb];
	[sflag:s28] =	ssyncadd.s32 $0xFFFFF000  }
0x2f: {  	[tilespmem:s16], [sflag:$0x8] =	stream.strided.gather [hbm4b:s14+s18], $0x1000, s19, s18, $0x38;
	[tilespmem:$0x8000] =	vst v63  }
0x30: {  	p0 =	por $0x0, $0x0;
	s7 =	simm.s32 $0x2;
	s17 =	rddreg [dreg:$0xc]  }
0x31: {  	[hbm4b:s17+s2] =	stream.linear.scatter [tilespmem:s20], [sflag:$0xA], $0x1000, $0x38;
	[tilespmem:$0x8000] =	vst v63  }
0x32: {  	s5 =	sand.u32 $0x7, s7  }
0x33: {  	s7 =	sadd.s32 $0x1, s5  }
0x34: {  	s8 =	simm.s32 $0x8;
	p0 =	sle.u32 s3, $0x8;
	_ =	swait.ge [sflag:s7], $0x1000  }
0x35: {  	p1 =	sne.s32 s15, $0x2;
	s10 =	sand.u32 @!p0 $0x7, s8;
	[sflag:s7] =	ssyncset.done $0x0  }
0x36: {  	s8 =	simm.s32 $0x2;
	s11 =	sadd.s32 @!p0 $0x9, s10;
	[sflag:s7] =	ssyncadd.s32 $0xFFFFF000  }
0x37: {  	s17 =	simm.s32 @!p0 $0x7A1400;
	s16 =	sshll.u32 @!p0 s10, $0xC;
	_ =	swait.ge @!p0 [sflag:s11], $0x1000  }
.Ltmp1:
0x38: {  	s10 =	sadd.s32 @!p0 $0x1, s10;
	[sflag:s11] =	ssyncset.done @!p0 $0x0;
	(pc) =	sbr.rel @!p1 .LBB2_4-.Ltmp1, $4  }
0x39: {  	s7 =	simm.s32 $0x3;
	[sflag:s11] =	ssyncadd.s32 @!p0 $0xFFFFF000;
	s11 =	simm.s32 @!p0 $0x400  }
0x3a: {  	[tilespmem:s16], [sflag:s10] =	stream.strided.gather @!p0 [hbm4b:s6+s11], $0x1000, s17, s11, $0x38;
	[tilespmem:$0x8000] =	vst v63  }
0x3b: {  	s17 =	sadd.s32 $0x200, s9;
	s10 =	sshll.u32 s5, $0xC;
	s11 =	sadd.s32 $0x9, s5  }
0x3c: {  	s16 =	sadd.s32 $0x80, s6;
	p0 =	por $0x1, $0x1;
	s5 =	smov.u32 s9  }
.LBB2_5:
0x3d: {  	[hbm4b:s5+s2] =	stream.linear.scatter [tilespmem:s10], [sflag:s11], $0x1000, $0x38;
	[tilespmem:$0x8000] =	vst v63  }
0x3e: {  	s10 =	smov.u32 s8;
	s5 =	smov.u32 s17  }
0x3f: {  	s8 =	sadd.s32 $0x1, s8;
	s11 =	sand.u32 $0x7, s7;
	s7 =	sadd.s32 $0x2, s10  }
0x40: {  	s12 =	sadd.s32 $0x8, s29;
	p1 =	sne.s32 s15, s8;
	s13 =	sadd.s32 $0x1, s11  }
0x41: {  	p2 =	sge.u32 s12, s3;
	s29 =	smov.u32 s10;
	_ =	swait.ge [sflag:s13], $0x1000  }
0x42: {  	s10 =	sand.u32 @!p2 $0x7, s12;
	[sflag:s13] =	ssyncset.done $0x0  }
0x43: {  	s12 =	sadd.s32 @!p2 $0x9, s10;
	[sflag:s13] =	ssyncadd.s32 $0xFFFFF000;
	s13 =	sshll.u32 @!p2 s10, $0xC  }
.Ltmp2:
0x44: {  	s10 =	sadd.s32 @!p2 $0x1, s10;
	_ =	swait.ge @!p2 [sflag:s12], $0x1000;
	(pc) =	sbr.rel @p1 .LBB2_5-.Ltmp2, $4  }
0x45: {  	s17 =	sadd.s32 $0x200, s17;
	[sflag:s12] =	ssyncset.done @!p2 $0x0  }
0x46: {  	s14 =	simm.s32 @!p2 $0x7A1400;
	[sflag:s12] =	ssyncadd.s32 @!p2 $0xFFFFF000;
	s12 =	simm.s32 @!p2 $0x400  }
0x47: {  	[tilespmem:s13], [sflag:s10] =	stream.strided.gather @!p2 [hbm4b:s16+s12], $0x1000, s14, s12, $0x38;
	[tilespmem:$0x8000] =	vst v63  }
0x48: {  	s10 =	sshll.u32 s11, $0xC;
	s11 =	sadd.s32 $0x9, s11;
	s16 =	sadd.s32 $0x80, s16  }
.LBB2_6:
0x49: {  	[hbm4b:s5+s2] =	stream.linear.scatter @p0 [tilespmem:s10], [sflag:s11], $0x1000, $0x38;
	[tilespmem:$0x8000] =	vst v63  }
0x4a: {  	s14 =	sand.u32 $0x7, s7  }
0x4b: {  	s7 =	sadd.s32 $0x8, s29;
	s8 =	sadd.s32 $0x1, s14  }
0x4c: {  	p0 =	sge.u32 s7, s3;
	_ =	swait.ge [sflag:s8], $0x1000  }
0x4d: {  	s7 =	sand.u32 @!p0 $0x7, s7;
	[sflag:s8] =	ssyncset.done $0x0  }
0x4e: {  	[sflag:s8] =	ssyncadd.s32 $0xFFFFF000;
	s8 =	sadd.s32 @!p0 $0x9, s7  }
0x4f: {  	_ =	swait.ge @!p0 [sflag:s8], $0x1000  }
0x50: {  	s11 =	simm.s32 @!p0 $0x7A1400;
	s10 =	sshll.u32 @!p0 s7, $0xC;
	[sflag:s8] =	ssyncset.done @!p0 $0x0  }
0x51: {  	s7 =	sadd.s32 @!p0 $0x1, s7;
	[sflag:s8] =	ssyncadd.s32 @!p0 $0xFFFFF000;
	s8 =	simm.s32 @!p0 $0x400  }
0x52: {  	[tilespmem:s10], [sflag:s7] =	stream.strided.gather @!p0 [hbm4b:s16+s8], $0x1000, s11, s8, $0x38;
	[tilespmem:$0x8000] =	vst v63  }
0x53: {  	s5 =	sadd.s32 $0x9, s14;
	s16 =	sshll.u32 s14, $0xC  }
0x54: {  	[hbm4b:s17+s2] =	stream.linear.scatter [tilespmem:s16], [sflag:s5], $0x1000, $0x38;
	[tilespmem:$0x8000] =	vst v63  }
0x55: {  	_ =	swait.ge [sflag:s30], $0x1000  }
0x56: {  	[sflag:s30] =	ssyncset.done $0x0  }
0x57: {  	[sflag:s30] =	ssyncadd.s32 $0xFFFFF000  }
0x58: {  	_ =	swait.ge [sflag:s31], $0x1000  }
0x59: {  	[sflag:s31] =	ssyncset.done $0x0  }
0x5a: {  	[sflag:s31] =	ssyncadd.s32 $0xFFFFF000  }
0x5b: {  	_ =	swait.ge [sflag:s1], $0x1000  }
0x5c: {  	[sflag:s1] =	ssyncset.done $0x0  }
0x5d: {  	[sflag:s1] =	ssyncadd.s32 $0xFFFFF000  }
0x5e: {  	_ =	swait.ge [sflag:s0], $0x1000  }
0x5f: {  	[sflag:s0] =	ssyncset.done $0x0  }
0x60: {  	[sflag:s0] =	ssyncadd.s32 $0xFFFFF000  }
0x61: {  	_ =	swait.ge [sflag:s21], $0x1000  }
0x62: {  	[sflag:s21] =	ssyncset.done $0x0  }
0x63: {  	[sflag:s21] =	ssyncadd.s32 $0xFFFFF000  }
0x64: {  	_ =	swait.ge [sflag:s22], $0x1000  }
0x65: {  	[sflag:s22] =	ssyncset.done $0x0  }
0x66: {  	[sflag:s22] =	ssyncadd.s32 $0xFFFFF000  }
0x67: {  	_ =	swait.ge [sflag:s23], $0x1000  }
0x68: {  	[sflag:s23] =	ssyncset.done $0x0  }
0x69: {  	[sflag:s23] =	ssyncadd.s32 $0xFFFFF000  }
0x6a: {  	_ =	swait.ge [sflag:s24], $0x1000  }
0x6b: {  	s26 =	sadd.s32 $0x1, s26;
	s29 =	rddreg [dreg:$0x8]  }
0x6c: {  	p0 =	sne.s32 s26, s29  }
.Ltmp3:
0x6d: {  	_ = 	snop;
	(pc) =	sbr.rel @p0 .LBB2_1-.Ltmp3, $4  }
.Ltmp4:
0x6e: {  	_ = 	snop;
	(pc) =	sbr.rel @!p0 .LBB2_7-.Ltmp4, $4  }
0x6f: {  	_ = 	snop  }
0x70: {  	[sflag:s24] =	ssyncset.done $0x0  }
0x71: {  	[sflag:s24] =	ssyncadd.s32 $0xFFFFF000  }
0x72: {  	_ = 	snop  }
.LBB2_2:
.Ltmp5:
0x73: {  	(pc) =	sbr.rel .LBB2_6-.Ltmp5, $2  }
0x74: {  	_ =	sdelay $0x2  }
0x75: {  	s17 =	smov.u32 s9;
	s29 =	simm.s32 $0x0;
	s16 =	smov.u32 s6  }
.LBB2_4:
.Ltmp6:
0x76: {  	(pc) =	sbr.rel .LBB2_6-.Ltmp6, $2  }
0x77: {  	_ =	sdelay $0x2  }
0x78: {  	s5 =	smov.u32 s9;
	s7 =	simm.s32 $0x3  }
.LBB2_7:
0x79: {  	_ =	sfence.sel $0x180000  }
0x7a: {  	[bflag:$0x0] =	sbarrier.arrive $0xFFFF  }
0x7b: {  	_ =	strace $0x90000047  }
0x7c: {  	s0 =	stileid.u32;
	[bflag:$0x2] =	sbarrier.arrive $0xFFFF  }
0x7d: {  	p0 =	sne.s32 s0, $0x0;
	s0 =	rddreg [dreg:$0x2]  }
0x7e: {  	s0 =	sadd.s32 @!p0 $0x100000, s0  }
0x7f: {  	[sflag:s0] =	ssyncadd.tile.s32 @!p0 $0x1;
	_ =	shalt  }
.Lfunc_end2:
_tile_overlayer_lowered:
.L_overlay_start_2:
0x80: {  	(tag) =	ssettag $0x2  }
0x81: {  	s0 =	rddreg [dreg:$0x0];
	s2 =	stileid.u32  }
0x82: {  	s1 =	rddreg [dreg:$0x1];
	p0 =	sne.s32 s2, $0x0  }
0x83: {  	s3 =	rddreg [dreg:$0x2];
	[bflag:$0x3] =	sbarrier.arrive $0xFFFF;
	s2 =	simm.s32 @!p0 $0x1C11  }
0x84: {  	[timem:s3], [sflag:s2] =	dma.local @!p0 [hbm:s0], s1  }
0x85: {  	s0 =	simm.s32 @!p0 $0x11  }
0x86: {  	_ =	swait.ge @!p0 [sflag:s0], s1  }
0x87: {  	s1 =	ssub.s32 @!p0 $0x0, s1;
	[sflag:s0] =	ssyncset.done @!p0 $0x0  }
0x88: {  	[sflag:s0] =	ssyncadd.s32 @!p0 s1  }
0x89: {  	[bflag:$0x3] =	sbarrier.arrive $0xFFFF  }
0x8a: {  	_ =	shalt  }

</sc_bundles>
